<compile_context>
chip_gen: v7x
topology: tpu7x:2x2x1
jax: 0.10.2.dev20260603
libtpu: 0.0.44.dev20260713+nightly
codegen_flags: <defaults>
</compile_context>

<pallas_src>
import functools

import jax
import jax.numpy as jnp
from jax import lax
from jax.experimental import pallas as pl
from jax.experimental.pallas import tpu as pltpu
from jax.experimental.pallas import tpu_sc as plsc

N = 10000
D = 128
E = 320000
G = 64
NCLS = 1000

NC, NS = 2, 16
NW = NC * NS
CH = 128
NCHUNK = 80
E_PAD = NW * NCHUNK * CH
N_PAD = 10112
ROWS_PT = N_PAD // NS

_MESH = plsc.VectorSubcoreMesh(
    core_axis_name="c", subcore_axis_name="s", num_cores=NC, num_subcores=NS
)



def _spmm_body(hs_hbm, src_hbm, dst_hbm, zeros_hbm, out_hbm,
               src_c, dst_c, buf, acc, sg):
    c = lax.axis_index("c")
    s = lax.axis_index("s")
    wid = s * NC + c
    r0 = s * ROWS_PT
    pltpu.sync_copy(zeros_hbm.at[pl.ds(r0, ROWS_PT)], acc.at[pl.ds(r0, ROWS_PT)])
    plsc.subcore_barrier()

    @pl.loop(0, NCHUNK)
    def _(j):
        base = (wid * NCHUNK + j) * CH
        pltpu.sync_copy(src_hbm.at[pl.ds(base, CH)], src_c)
        pltpu.sync_copy(dst_hbm.at[pl.ds(base, CH)], dst_c)
        pltpu.async_copy(hs_hbm.at[src_c], buf, sg).wait()
        pltpu.sync_copy(buf, acc.at[dst_c], add=True)

    plsc.subcore_barrier()
    pltpu.sync_copy(acc.at[pl.ds(r0, ROWS_PT)], out_hbm.at[c, pl.ds(r0, ROWS_PT)])


_spmm_call = pl.kernel(
    _spmm_body,
    out_type=jax.ShapeDtypeStruct((NC, N_PAD, D), jnp.float32),
    mesh=_MESH,
    scratch_types=[
        pltpu.VMEM((CH,), jnp.int32),
        pltpu.VMEM((CH,), jnp.int32),
        pltpu.VMEM((CH, D), jnp.float32),
        pltpu.VMEM_SHARED((N_PAD, D), jnp.float32),
        pltpu.SemaphoreType.DMA,
    ],
)



_RB = 1000


def _dinv(dega_ref, degb_ref):
    deg = dega_ref[:, :1] + degb_ref[:, :1] + 1.0
    return lax.rsqrt(deg)


def _prep_body(x_ref, w1_ref, dega_ref, degb_ref, h1s_ref):
    h1 = jnp.dot(x_ref[...], w1_ref[...], preferred_element_type=jnp.float32)
    h1s_ref[...] = h1 * _dinv(dega_ref, degb_ref)


def _mid_body(sa_ref, sb_ref, h1s_ref, dega_ref, degb_ref, b1_ref, w2_ref,
              h2s_ref):
    dinv = _dinv(dega_ref, degb_ref)
    z1 = jnp.maximum(
        dinv * (sa_ref[...] + sb_ref[...] + h1s_ref[...]) + b1_ref[...], 0.0)
    h2 = jnp.dot(z1, w2_ref[...], preferred_element_type=jnp.float32)
    h2s_ref[...] = h2 * dinv


def _final_body(sa_ref, sb_ref, h2s_ref, dega_ref, degb_ref, b2_ref,
                bidx_ref, wout_ref, bout_ref, out_ref, pool_acc, cnt_acc):
    i = pl.program_id(0)
    dinv = _dinv(dega_ref, degb_ref)
    z2 = jnp.maximum(
        dinv * (sa_ref[...] + sb_ref[...] + h2s_ref[...]) + b2_ref[...], 0.0)
    gids = lax.broadcasted_iota(jnp.int32, (_RB, G), 1).astype(jnp.float32)
    oh = (bidx_ref[...] == gids).astype(jnp.float32)

    @pl.when(i == 0)
    def _():
        pool_acc[...] = jnp.zeros((G, D), jnp.float32)
        cnt_acc[...] = jnp.zeros((G, D), jnp.float32)

    dn = (((0,), (0,)), ((), ()))
    pool_acc[...] += lax.dot_general(oh, z2, dn,
                                     preferred_element_type=jnp.float32)
    cnt_acc[...] += lax.dot_general(oh, jnp.ones((_RB, D), jnp.float32), dn,
                                    preferred_element_type=jnp.float32)

    @pl.when(i == pl.num_programs(0) - 1)
    def _():
        pooled = pool_acc[...] / jnp.maximum(cnt_acc[...], 1.0)
        out_ref[...] = jnp.dot(pooled, wout_ref[...],
                               preferred_element_type=jnp.float32) + bout_ref[...]


_prep_call = pl.pallas_call(
    _prep_body,
    grid=(N // _RB,),
    in_specs=[
        pl.BlockSpec((_RB, D), lambda i: (i, 0)),
        pl.BlockSpec((D, D), lambda i: (0, 0)),
        pl.BlockSpec((_RB, D), lambda i: (i, 0)),
        pl.BlockSpec((_RB, D), lambda i: (i, 0)),
    ],
    out_specs=pl.BlockSpec((_RB, D), lambda i: (i, 0)),
    out_shape=jax.ShapeDtypeStruct((N, D), jnp.float32),
)

_mid_call = pl.pallas_call(
    _mid_body,
    grid=(N // _RB,),
    in_specs=[
        pl.BlockSpec((_RB, D), lambda i: (i, 0)),
        pl.BlockSpec((_RB, D), lambda i: (i, 0)),
        pl.BlockSpec((_RB, D), lambda i: (i, 0)),
        pl.BlockSpec((_RB, D), lambda i: (i, 0)),
        pl.BlockSpec((_RB, D), lambda i: (i, 0)),
        pl.BlockSpec((1, D), lambda i: (0, 0)),
        pl.BlockSpec((D, D), lambda i: (0, 0)),
    ],
    out_specs=pl.BlockSpec((_RB, D), lambda i: (i, 0)),
    out_shape=jax.ShapeDtypeStruct((N, D), jnp.float32),
)

_final_call = pl.pallas_call(
    _final_body,
    grid=(N // _RB,),
    in_specs=[
        pl.BlockSpec((_RB, D), lambda i: (i, 0)),
        pl.BlockSpec((_RB, D), lambda i: (i, 0)),
        pl.BlockSpec((_RB, D), lambda i: (i, 0)),
        pl.BlockSpec((_RB, D), lambda i: (i, 0)),
        pl.BlockSpec((_RB, D), lambda i: (i, 0)),
        pl.BlockSpec((1, D), lambda i: (0, 0)),
        pl.BlockSpec((_RB, 1), lambda i: (i, 0)),
        pl.BlockSpec((D, NCLS), lambda i: (0, 0)),
        pl.BlockSpec((1, NCLS), lambda i: (0, 0)),
    ],
    out_specs=pl.BlockSpec((G, NCLS), lambda i: (0, 0)),
    out_shape=jax.ShapeDtypeStruct((G, NCLS), jnp.float32),
    scratch_shapes=[
        pltpu.VMEM((G, D), jnp.float32),
        pltpu.VMEM((G, D), jnp.float32),
    ],
)



@jax.jit
def kernel(x, edge_index, batch_index, W1, b1, W2, b2, W_out, b_out):
    src = edge_index[0].astype(jnp.int32)
    dst = edge_index[1].astype(jnp.int32)
    pad_n = E_PAD - E
    src1d = jnp.concatenate([src, jnp.zeros((pad_n,), jnp.int32)])
    pad_dst = N + jnp.arange(pad_n, dtype=jnp.int32) % (N_PAD - N)
    dst1d = jnp.concatenate([dst, pad_dst])

    zeros_acc = jnp.zeros((N_PAD, D), jnp.float32)
    ones_nd = jnp.ones((N, D), jnp.float32)
    bidx = batch_index.astype(jnp.float32).reshape(N, 1)

    deg = _spmm_call(ones_nd, src1d, dst1d, zeros_acc)
    dega, degb = deg[0], deg[1]

    h1s = _prep_call(x, W1, dega, degb)
    s1 = _spmm_call(h1s, src1d, dst1d, zeros_acc)
    h2s = _mid_call(s1[0], s1[1], h1s, dega, degb, b1.reshape(1, D), W2)
    s2 = _spmm_call(h2s, src1d, dst1d, zeros_acc)
    out = _final_call(s2[0], s2[1], h2s, dega, degb, b2.reshape(1, D),
                      bidx, W_out, b_out.reshape(1, NCLS))
    return out

# --- scband reference (transcript-rebuilt; emitter-appended) ---
"""Pipeline reference for scband-image-gnn-19404662243653 (READ-ONLY COPY).

The authoritative reference and input builder live on the scoring server;
editing this copy changes nothing except your own understanding.
"""

import jax, jax.numpy as jnp
import numpy as np

N_NODES = 10000
N_EDGES = 320000
D_FEAT = 128
D_HID = 128
N_CLASSES = 1000
N_GRAPHS = 64


def setup_inputs(seed: int = 0) -> dict:
    key = jax.random.key(seed)
    ks = jax.random.split(key, 10)
    x = jax.random.normal(ks[0], (N_NODES, D_FEAT), dtype=jnp.float32)
    edge_index = jax.random.randint(ks[1], (2, N_EDGES), 0, N_NODES, dtype=jnp.int64)
    batch_index = jnp.sort(jax.random.randint(ks[2], (N_NODES,), 0, N_GRAPHS, dtype=jnp.int64))
    W1 = jax.random.normal(ks[3], (D_FEAT, D_HID), dtype=jnp.float32) * (1.0 / np.sqrt(D_FEAT))
    b1 = jnp.zeros((D_HID,), dtype=jnp.float32)
    W2 = jax.random.normal(ks[4], (D_HID, D_HID), dtype=jnp.float32) * (1.0 / np.sqrt(D_HID))
    b2 = jnp.zeros((D_HID,), dtype=jnp.float32)
    W_out = jax.random.normal(ks[5], (D_HID, N_CLASSES), dtype=jnp.float32) * (1.0 / np.sqrt(D_HID))
    b_out = jnp.zeros((N_CLASSES,), dtype=jnp.float32)
    return {
        "x": x,
        "edge_index": edge_index,
        "batch_index": batch_index,
        "W1": W1,
        "b1": b1,
        "W2": W2,
        "b2": b2,
        "W_out": W_out,
        "b_out": b_out,
    }


def _gcn_conv(x, edge_index, W, b, num_nodes):
    # PyG-style GCNConv: linear transform, add self-loops, symmetric normalization, scatter-add
    h = x @ W
    src = edge_index[0]
    dst = edge_index[1]
    loop = jnp.arange(num_nodes, dtype=src.dtype)
    src = jnp.concatenate([src, loop], axis=0)
    dst = jnp.concatenate([dst, loop], axis=0)
    deg = jnp.zeros((num_nodes,), dtype=h.dtype).at[dst].add(1.0)
    dinv = jnp.where(deg > 0, jax.lax.rsqrt(deg), 0.0)
    norm = dinv[src] * dinv[dst]
    msg = h[src] * norm[:, None]
    out = jax.ops.segment_sum(msg, dst, num_segments=num_nodes)
    return out + b


def _global_mean_pool(x, batch_index, num_graphs):
    sums = jax.ops.segment_sum(x, batch_index, num_segments=num_graphs)
    counts = jax.ops.segment_sum(jnp.ones((x.shape[0],), dtype=x.dtype), batch_index, num_segments=num_graphs)
    counts = jnp.maximum(counts, 1.0)
    return sums / counts[:, None]


def reference(x, edge_index, batch_index, W1, b1, W2, b2, W_out, b_out):
    n = x.shape[0]
    h = _gcn_conv(x, edge_index, W1, b1, n)
    h = jax.nn.relu(h)
    h = _gcn_conv(h, edge_index, W2, b2, n)
    h = jax.nn.relu(h)
    pooled = _global_mean_pool(h, batch_index, N_GRAPHS)
    out = pooled @ W_out + b_out
    return out

if __name__ == "__main__":
    import jax
    _d = setup_inputs()
    print(jax.jit(kernel)(*tuple(_d.values())))

</pallas_src>

<mosaic_0001>
#map = affine_map<(d0, d1) -> (0, 0)>
#map1 = affine_map<(d0, d1) -> (0)>
#map2 = affine_map<(d0, d1) -> (0, 0, 0)>
module attributes {stable_mosaic.version = 14 : i64} {
  func.func @_spmm_body(%arg0: i32, %arg1: i32, %arg2: memref<10000x128xf32, #tpu.memory_space<hbm>>, %arg3: memref<327680xi32, #tpu.memory_space<hbm>>, %arg4: memref<327680xi32, #tpu.memory_space<hbm>>, %arg5: memref<10112x128xf32, #tpu.memory_space<hbm>>, %arg6: memref<2x10112x128xf32, #tpu.memory_space<hbm>>, %arg7: memref<128xi32, #tpu.memory_space<vmem>>, %arg8: memref<128xi32, #tpu.memory_space<vmem>>, %arg9: memref<128x128xf32, #tpu.memory_space<vmem>>, %arg10: memref<10112x128xf32, #tpu.memory_space<vmem_shared>>, %arg11: memref<!tpu.dma_semaphore, #tpu.memory_space<semaphore_mem>>) attributes {dimension_semantics = [#tpu.dimension_semantics<core_parallel>, #tpu.dimension_semantics<subcore_parallel>], iteration_bounds = array<i64: 2, 16>, scalar_prefetch = 0 : i64, scratch_operands = 5 : i64, tpu.core_type = #tpu.core_type<sc_vector_subcore>, window_params = [{transform_indices = #map}, {transform_indices = #map1}, {transform_indices = #map1}, {transform_indices = #map}, {transform_indices = #map2}]} {
    %mul3A = arith.constant 2 : i32
    %mul3A_0 = arith.muli %arg1, %mul3A : i32
    %add3A = arith.addi %mul3A_0, %arg0 : i32
    %mul3A_1 = arith.constant 632 : i32
    %mul3A_2 = arith.muli %arg1, %mul3A_1 : i32
    "tpu.region"() ({
      %run_scoped3A = tpu.sem_alloc : memref<!tpu.dma_semaphore, #tpu.memory_space<semaphore_mem>>
      %dma_start3A = arith.constant 0 : i32
      %dma_start3A_8 = tpu.memref_slice %arg10[%mul3A_2, %dma_start3A] : memref<10112x128xf32, #tpu.memory_space<vmem_shared>> -> memref<632x128xf32, #tpu.memory_space<vmem_shared>>
      %dma_start3A_9 = arith.constant 0 : i32
      %dma_start3A_10 = tpu.memref_slice %arg5[%mul3A_2, %dma_start3A_9] : memref<10112x128xf32, #tpu.memory_space<hbm>> -> memref<632x128xf32, #tpu.memory_space<hbm>>
      tpu.enqueue_dma source(%dma_start3A_10 : memref<632x128xf32, #tpu.memory_space<hbm>>) target(%dma_start3A_8 : memref<632x128xf32, #tpu.memory_space<vmem_shared>>) target_semaphore(%run_scoped3A : memref<!tpu.dma_semaphore, #tpu.memory_space<semaphore_mem>>)
      %dma_wait3A = arith.constant 0 : i32
      %dma_wait3A_11 = tpu.memref_slice %arg10[%mul3A_2, %dma_wait3A] : memref<10112x128xf32, #tpu.memory_space<vmem_shared>> -> memref<632x128xf32, #tpu.memory_space<vmem_shared>>
      %dma_wait3A_12 = arith.constant 0 : i32
      %dma_wait3A_13 = tpu.memref_slice %arg5[%mul3A_2, %dma_wait3A_12] : memref<10112x128xf32, #tpu.memory_space<hbm>> -> memref<632x128xf32, #tpu.memory_space<hbm>>
      tpu.wait_dma2 semaphore(%run_scoped3A : memref<!tpu.dma_semaphore, #tpu.memory_space<semaphore_mem>>) src(%dma_wait3A_13 : memref<632x128xf32, #tpu.memory_space<hbm>>) dst(%dma_wait3A_11 : memref<632x128xf32, #tpu.memory_space<vmem_shared>>)
      tpu.yield
    }) : () -> ()
    %barrier3A = arith.constant 0 : index
    tpu.barrier barrier_id(%barrier3A)
    %scan3A = arith.constant 0 : i32
    %scan3A_3 = arith.constant 80 : i32
    %scan3A_4 = arith.addi %scan3A, %scan3A_3 : i32
    %scan3A_5 = arith.constant 1 : i32
    scf.for %scan3A_8 = %scan3A to %scan3A_4 step %scan3A_5  : i32 {
      %mul3A_9 = arith.constant 1 : i32
      %mul3A_10 = arith.muli %scan3A_8, %mul3A_9 : i32
      %add3A_11 = arith.constant 0 : i32
      %add3A_12 = arith.addi %add3A_11, %mul3A_10 : i32
      %mul3A_13 = arith.constant 80 : i32
      %mul3A_14 = arith.muli %add3A, %mul3A_13 : i32
      %add3A_15 = arith.addi %mul3A_14, %add3A_12 : i32
      %mul3A_16 = arith.constant 128 : i32
      %mul3A_17 = arith.muli %add3A_15, %mul3A_16 : i32
      "tpu.region"() ({
        %run_scoped3A = tpu.sem_alloc : memref<!tpu.dma_semaphore, #tpu.memory_space<semaphore_mem>>
        %dma_start3A_22 = tpu.memref_slice %arg3[%mul3A_17] : memref<327680xi32, #tpu.memory_space<hbm>> -> memref<128xi32, #tpu.memory_space<hbm>>
        %dma_start3A_23 = tpu.memref_slice %arg3[%mul3A_17] : memref<327680xi32, #tpu.memory_space<hbm>> -> memref<128xi32, #tpu.memory_space<hbm>>
        tpu.enqueue_dma source(%dma_start3A_23 : memref<128xi32, #tpu.memory_space<hbm>>) target(%arg7 : memref<128xi32, #tpu.memory_space<vmem>>) target_semaphore(%run_scoped3A : memref<!tpu.dma_semaphore, #tpu.memory_space<semaphore_mem>>)
        %dma_wait3A_24 = tpu.memref_slice %arg3[%mul3A_17] : memref<327680xi32, #tpu.memory_space<hbm>> -> memref<128xi32, #tpu.memory_space<hbm>>
        %dma_wait3A_25 = tpu.memref_slice %arg3[%mul3A_17] : memref<327680xi32, #tpu.memory_space<hbm>> -> memref<128xi32, #tpu.memory_space<hbm>>
        tpu.wait_dma2 semaphore(%run_scoped3A : memref<!tpu.dma_semaphore, #tpu.memory_space<semaphore_mem>>) src(%dma_wait3A_25 : memref<128xi32, #tpu.memory_space<hbm>>) dst(%arg7 : memref<128xi32, #tpu.memory_space<vmem>>)
        tpu.yield
      }) : () -> ()
      "tpu.region"() ({
        %run_scoped3A = tpu.sem_alloc : memref<!tpu.dma_semaphore, #tpu.memory_space<semaphore_mem>>
        %dma_start3A_22 = tpu.memref_slice %arg4[%mul3A_17] : memref<327680xi32, #tpu.memory_space<hbm>> -> memref<128xi32, #tpu.memory_space<hbm>>
        %dma_start3A_23 = tpu.memref_slice %arg4[%mul3A_17] : memref<327680xi32, #tpu.memory_space<hbm>> -> memref<128xi32, #tpu.memory_space<hbm>>
        tpu.enqueue_dma source(%dma_start3A_23 : memref<128xi32, #tpu.memory_space<hbm>>) target(%arg8 : memref<128xi32, #tpu.memory_space<vmem>>) target_semaphore(%run_scoped3A : memref<!tpu.dma_semaphore, #tpu.memory_space<semaphore_mem>>)
        %dma_wait3A_24 = tpu.memref_slice %arg4[%mul3A_17] : memref<327680xi32, #tpu.memory_space<hbm>> -> memref<128xi32, #tpu.memory_space<hbm>>
        %dma_wait3A_25 = tpu.memref_slice %arg4[%mul3A_17] : memref<327680xi32, #tpu.memory_space<hbm>> -> memref<128xi32, #tpu.memory_space<hbm>>
        tpu.wait_dma2 semaphore(%run_scoped3A : memref<!tpu.dma_semaphore, #tpu.memory_space<semaphore_mem>>) src(%dma_wait3A_25 : memref<128xi32, #tpu.memory_space<hbm>>) dst(%arg8 : memref<128xi32, #tpu.memory_space<vmem>>)
        tpu.yield
      }) : () -> ()
      %dma_start3A = arith.constant 0 : i32
      %dma_start3A_18 = arith.constant 0 : i32
      %dma_start3A_19 = tpu.memref_slice %arg2[%dma_start3A, %dma_start3A_18] : memref<10000x128xf32, #tpu.memory_space<hbm>> -> memref<10000x128xf32, #tpu.memory_space<hbm>>
      tpu.enqueue_indirect_dma source(%dma_start3A_19 : memref<10000x128xf32, #tpu.memory_space<hbm>>) target(%arg9 : memref<128x128xf32, #tpu.memory_space<vmem>>) offsets(%arg7 : memref<128xi32, #tpu.memory_space<vmem>>) semaphore(%arg11 : memref<!tpu.dma_semaphore, #tpu.memory_space<semaphore_mem>>)
      %dma_wait3A = arith.constant 0 : i32
      %dma_wait3A_20 = arith.constant 0 : i32
      %dma_wait3A_21 = tpu.memref_slice %arg2[%dma_wait3A, %dma_wait3A_20] : memref<10000x128xf32, #tpu.memory_space<hbm>> -> memref<10000x128xf32, #tpu.memory_space<hbm>>
      tpu.wait_indirect_dma semaphore(%arg11 : memref<!tpu.dma_semaphore, #tpu.memory_space<semaphore_mem>>) src(%dma_wait3A_21 : memref<10000x128xf32, #tpu.memory_space<hbm>>) dst(%arg9 : memref<128x128xf32, #tpu.memory_space<vmem>>)
      "tpu.region"() ({
        %run_scoped3A = tpu.sem_alloc : memref<!tpu.dma_semaphore, #tpu.memory_space<semaphore_mem>>
        %dma_start3A_22 = arith.constant 0 : i32
        %dma_start3A_23 = arith.constant 0 : i32
        %dma_start3A_24 = tpu.memref_slice %arg10[%dma_start3A_22, %dma_start3A_23] : memref<10112x128xf32, #tpu.memory_space<vmem_shared>> -> memref<10112x128xf32, #tpu.memory_space<vmem_shared>>
        tpu.enqueue_indirect_dma source(%arg9 : memref<128x128xf32, #tpu.memory_space<vmem>>) target(%dma_start3A_24 : memref<10112x128xf32, #tpu.memory_space<vmem_shared>>) offsets(%arg8 : memref<128xi32, #tpu.memory_space<vmem>>) semaphore(%run_scoped3A : memref<!tpu.dma_semaphore, #tpu.memory_space<semaphore_mem>>) {add = true}
        %dma_wait3A_25 = arith.constant 0 : i32
        %dma_wait3A_26 = arith.constant 0 : i32
        %dma_wait3A_27 = tpu.memref_slice %arg10[%dma_wait3A_25, %dma_wait3A_26] : memref<10112x128xf32, #tpu.memory_space<vmem_shared>> -> memref<10112x128xf32, #tpu.memory_space<vmem_shared>>
        tpu.wait_indirect_dma semaphore(%run_scoped3A : memref<!tpu.dma_semaphore, #tpu.memory_space<semaphore_mem>>) src(%arg9 : memref<128x128xf32, #tpu.memory_space<vmem>>) dst(%dma_wait3A_27 : memref<10112x128xf32, #tpu.memory_space<vmem_shared>>)
        tpu.yield
      }) : () -> ()
    }
    %scan3A_6 = arith.constant 80 : i32
    %barrier3A_7 = arith.constant 0 : index
    tpu.barrier barrier_id(%barrier3A_7)
    "tpu.region"() ({
      %run_scoped3A = tpu.sem_alloc : memref<!tpu.dma_semaphore, #tpu.memory_space<semaphore_mem>>
      %dma_start3A = arith.constant 0 : i32
      %dma_start3A_8 = tpu.memref_slice %arg6[%arg0, %mul3A_2, %dma_start3A] : memref<2x10112x128xf32, #tpu.memory_space<hbm>> -> memref<1x632x128xf32, #tpu.memory_space<hbm>>
      %dma_start3A_9 = tpu.memref_squeeze %dma_start3A_8 : memref<1x632x128xf32, #tpu.memory_space<hbm>> -> memref<632x128xf32, #tpu.memory_space<hbm>>
      %dma_start3A_10 = arith.constant 0 : i32
      %dma_start3A_11 = tpu.memref_slice %arg10[%mul3A_2, %dma_start3A_10] : memref<10112x128xf32, #tpu.memory_space<vmem_shared>> -> memref<632x128xf32, #tpu.memory_space<vmem_shared>>
      tpu.enqueue_dma source(%dma_start3A_11 : memref<632x128xf32, #tpu.memory_space<vmem_shared>>) target(%dma_start3A_9 : memref<632x128xf32, #tpu.memory_space<hbm>>) target_semaphore(%run_scoped3A : memref<!tpu.dma_semaphore, #tpu.memory_space<semaphore_mem>>)
      %dma_wait3A = arith.constant 0 : i32
      %dma_wait3A_12 = tpu.memref_slice %arg6[%arg0, %mul3A_2, %dma_wait3A] : memref<2x10112x128xf32, #tpu.memory_space<hbm>> -> memref<1x632x128xf32, #tpu.memory_space<hbm>>
      %dma_wait3A_13 = tpu.memref_squeeze %dma_wait3A_12 : memref<1x632x128xf32, #tpu.memory_space<hbm>> -> memref<632x128xf32, #tpu.memory_space<hbm>>
      %dma_wait3A_14 = arith.constant 0 : i32
      %dma_wait3A_15 = tpu.memref_slice %arg10[%mul3A_2, %dma_wait3A_14] : memref<10112x128xf32, #tpu.memory_space<vmem_shared>> -> memref<632x128xf32, #tpu.memory_space<vmem_shared>>
      tpu.wait_dma2 semaphore(%run_scoped3A : memref<!tpu.dma_semaphore, #tpu.memory_space<semaphore_mem>>) src(%dma_wait3A_15 : memref<632x128xf32, #tpu.memory_space<vmem_shared>>) dst(%dma_wait3A_13 : memref<632x128xf32, #tpu.memory_space<hbm>>)
      tpu.yield
    }) : () -> ()
    return
  }
}

#map = affine_map<(d0, d1) -> (0, 0)>
#map1 = affine_map<(d0, d1) -> (0)>
#map2 = affine_map<(d0, d1) -> (0, 0, 0)>
module attributes {stable_mosaic.version = 14 : i64} {
  func.func @_spmm_body(%arg0: i32, %arg1: i32, %arg2: memref<10000x128xf32, #tpu.memory_space<hbm>>, %arg3: memref<327680xi32, #tpu.memory_space<hbm>>, %arg4: memref<327680xi32, #tpu.memory_space<hbm>>, %arg5: memref<10112x128xf32, #tpu.memory_space<hbm>>, %arg6: memref<2x10112x128xf32, #tpu.memory_space<hbm>>, %arg7: memref<128xi32, #tpu.memory_space<vmem>>, %arg8: memref<128xi32, #tpu.memory_space<vmem>>, %arg9: memref<128x128xf32, #tpu.memory_space<vmem>>, %arg10: memref<10112x128xf32, #tpu.memory_space<vmem_shared>>, %arg11: memref<!tpu.dma_semaphore, #tpu.memory_space<semaphore_mem>>) attributes {dimension_semantics = [#tpu.dimension_semantics<core_parallel>, #tpu.dimension_semantics<subcore_parallel>], iteration_bounds = array<i64: 2, 16>, scalar_prefetch = 0 : i64, scratch_operands = 5 : i64, tpu.core_type = #tpu.core_type<sc_vector_subcore>, window_params = [{transform_indices = #map}, {transform_indices = #map1}, {transform_indices = #map1}, {transform_indices = #map}, {transform_indices = #map2}]} {
    %mul3A = arith.constant 2 : i32
    %mul3A_0 = arith.muli %arg1, %mul3A : i32
    %add3A = arith.addi %mul3A_0, %arg0 : i32
    %mul3A_1 = arith.constant 632 : i32
    %mul3A_2 = arith.muli %arg1, %mul3A_1 : i32
    "tpu.region"() ({
      %run_scoped3A = tpu.sem_alloc : memref<!tpu.dma_semaphore, #tpu.memory_space<semaphore_mem>>
      %dma_start3A = arith.constant 0 : i32
      %dma_start3A_8 = tpu.memref_slice %arg10[%mul3A_2, %dma_start3A] : memref<10112x128xf32, #tpu.memory_space<vmem_shared>> -> memref<632x128xf32, #tpu.memory_space<vmem_shared>>
      %dma_start3A_9 = arith.constant 0 : i32
      %dma_start3A_10 = tpu.memref_slice %arg5[%mul3A_2, %dma_start3A_9] : memref<10112x128xf32, #tpu.memory_space<hbm>> -> memref<632x128xf32, #tpu.memory_space<hbm>>
      tpu.enqueue_dma source(%dma_start3A_10 : memref<632x128xf32, #tpu.memory_space<hbm>>) target(%dma_start3A_8 : memref<632x128xf32, #tpu.memory_space<vmem_shared>>) target_semaphore(%run_scoped3A : memref<!tpu.dma_semaphore, #tpu.memory_space<semaphore_mem>>)
      %dma_wait3A = arith.constant 0 : i32
      %dma_wait3A_11 = tpu.memref_slice %arg10[%mul3A_2, %dma_wait3A] : memref<10112x128xf32, #tpu.memory_space<vmem_shared>> -> memref<632x128xf32, #tpu.memory_space<vmem_shared>>
      %dma_wait3A_12 = arith.constant 0 : i32
      %dma_wait3A_13 = tpu.memref_slice %arg5[%mul3A_2, %dma_wait3A_12] : memref<10112x128xf32, #tpu.memory_space<hbm>> -> memref<632x128xf32, #tpu.memory_space<hbm>>
      tpu.wait_dma2 semaphore(%run_scoped3A : memref<!tpu.dma_semaphore, #tpu.memory_space<semaphore_mem>>) src(%dma_wait3A_13 : memref<632x128xf32, #tpu.memory_space<hbm>>) dst(%dma_wait3A_11 : memref<632x128xf32, #tpu.memory_space<vmem_shared>>)
      tpu.yield
    }) : () -> ()
    %barrier3A = arith.constant 0 : index
    tpu.barrier barrier_id(%barrier3A)
    %scan3A = arith.constant 0 : i32
    %scan3A_3 = arith.constant 80 : i32
    %scan3A_4 = arith.addi %scan3A, %scan3A_3 : i32
    %scan3A_5 = arith.constant 1 : i32
    scf.for %scan3A_8 = %scan3A to %scan3A_4 step %scan3A_5  : i32 {
      %mul3A_9 = arith.constant 1 : i32
      %mul3A_10 = arith.muli %scan3A_8, %mul3A_9 : i32
      %add3A_11 = arith.constant 0 : i32
      %add3A_12 = arith.addi %add3A_11, %mul3A_10 : i32
      %mul3A_13 = arith.constant 80 : i32
      %mul3A_14 = arith.muli %add3A, %mul3A_13 : i32
      %add3A_15 = arith.addi %mul3A_14, %add3A_12 : i32
      %mul3A_16 = arith.constant 128 : i32
      %mul3A_17 = arith.muli %add3A_15, %mul3A_16 : i32
      "tpu.region"() ({
        %run_scoped3A = tpu.sem_alloc : memref<!tpu.dma_semaphore, #tpu.memory_space<semaphore_mem>>
        %dma_start3A_22 = tpu.memref_slice %arg3[%mul3A_17] : memref<327680xi32, #tpu.memory_space<hbm>> -> memref<128xi32, #tpu.memory_space<hbm>>
        %dma_start3A_23 = tpu.memref_slice %arg3[%mul3A_17] : memref<327680xi32, #tpu.memory_space<hbm>> -> memref<128xi32, #tpu.memory_space<hbm>>
        tpu.enqueue_dma source(%dma_start3A_23 : memref<128xi32, #tpu.memory_space<hbm>>) target(%arg7 : memref<128xi32, #tpu.memory_space<vmem>>) target_semaphore(%run_scoped3A : memref<!tpu.dma_semaphore, #tpu.memory_space<semaphore_mem>>)
        %dma_wait3A_24 = tpu.memref_slice %arg3[%mul3A_17] : memref<327680xi32, #tpu.memory_space<hbm>> -> memref<128xi32, #tpu.memory_space<hbm>>
        %dma_wait3A_25 = tpu.memref_slice %arg3[%mul3A_17] : memref<327680xi32, #tpu.memory_space<hbm>> -> memref<128xi32, #tpu.memory_space<hbm>>
        tpu.wait_dma2 semaphore(%run_scoped3A : memref<!tpu.dma_semaphore, #tpu.memory_space<semaphore_mem>>) src(%dma_wait3A_25 : memref<128xi32, #tpu.memory_space<hbm>>) dst(%arg7 : memref<128xi32, #tpu.memory_space<vmem>>)
        tpu.yield
      }) : () -> ()
      "tpu.region"() ({
        %run_scoped3A = tpu.sem_alloc : memref<!tpu.dma_semaphore, #tpu.memory_space<semaphore_mem>>
        %dma_start3A_22 = tpu.memref_slice %arg4[%mul3A_17] : memref<327680xi32, #tpu.memory_space<hbm>> -> memref<128xi32, #tpu.memory_space<hbm>>
        %dma_start3A_23 = tpu.memref_slice %arg4[%mul3A_17] : memref<327680xi32, #tpu.memory_space<hbm>> -> memref<128xi32, #tpu.memory_space<hbm>>
        tpu.enqueue_dma source(%dma_start3A_23 : memref<128xi32, #tpu.memory_space<hbm>>) target(%arg8 : memref<128xi32, #tpu.memory_space<vmem>>) target_semaphore(%run_scoped3A : memref<!tpu.dma_semaphore, #tpu.memory_space<semaphore_mem>>)
        %dma_wait3A_24 = tpu.memref_slice %arg4[%mul3A_17] : memref<327680xi32, #tpu.memory_space<hbm>> -> memref<128xi32, #tpu.memory_space<hbm>>
        %dma_wait3A_25 = tpu.memref_slice %arg4[%mul3A_17] : memref<327680xi32, #tpu.memory_space<hbm>> -> memref<128xi32, #tpu.memory_space<hbm>>
        tpu.wait_dma2 semaphore(%run_scoped3A : memref<!tpu.dma_semaphore, #tpu.memory_space<semaphore_mem>>) src(%dma_wait3A_25 : memref<128xi32, #tpu.memory_space<hbm>>) dst(%arg8 : memref<128xi32, #tpu.memory_space<vmem>>)
        tpu.yield
      }) : () -> ()
      %dma_start3A = arith.constant 0 : i32
      %dma_start3A_18 = arith.constant 0 : i32
      %dma_start3A_19 = tpu.memref_slice %arg2[%dma_start3A, %dma_start3A_18] : memref<10000x128xf32, #tpu.memory_space<hbm>> -> memref<10000x128xf32, #tpu.memory_space<hbm>>
      tpu.enqueue_indirect_dma source(%dma_start3A_19 : memref<10000x128xf32, #tpu.memory_space<hbm>>) target(%arg9 : memref<128x128xf32, #tpu.memory_space<vmem>>) offsets(%arg7 : memref<128xi32, #tpu.memory_space<vmem>>) semaphore(%arg11 : memref<!tpu.dma_semaphore, #tpu.memory_space<semaphore_mem>>)
      %dma_wait3A = arith.constant 0 : i32
      %dma_wait3A_20 = arith.constant 0 : i32
      %dma_wait3A_21 = tpu.memref_slice %arg2[%dma_wait3A, %dma_wait3A_20] : memref<10000x128xf32, #tpu.memory_space<hbm>> -> memref<10000x128xf32, #tpu.memory_space<hbm>>
      tpu.wait_indirect_dma semaphore(%arg11 : memref<!tpu.dma_semaphore, #tpu.memory_space<semaphore_mem>>) src(%dma_wait3A_21 : memref<10000x128xf32, #tpu.memory_space<hbm>>) dst(%arg9 : memref<128x128xf32, #tpu.memory_space<vmem>>)
      "tpu.region"() ({
        %run_scoped3A = tpu.sem_alloc : memref<!tpu.dma_semaphore, #tpu.memory_space<semaphore_mem>>
        %dma_start3A_22 = arith.constant 0 : i32
        %dma_start3A_23 = arith.constant 0 : i32
        %dma_start3A_24 = tpu.memref_slice %arg10[%dma_start3A_22, %dma_start3A_23] : memref<10112x128xf32, #tpu.memory_space<vmem_shared>> -> memref<10112x128xf32, #tpu.memory_space<vmem_shared>>
        tpu.enqueue_indirect_dma source(%arg9 : memref<128x128xf32, #tpu.memory_space<vmem>>) target(%dma_start3A_24 : memref<10112x128xf32, #tpu.memory_space<vmem_shared>>) offsets(%arg8 : memref<128xi32, #tpu.memory_space<vmem>>) semaphore(%run_scoped3A : memref<!tpu.dma_semaphore, #tpu.memory_space<semaphore_mem>>) {add = true}
        %dma_wait3A_25 = arith.constant 0 : i32
        %dma_wait3A_26 = arith.constant 0 : i32
        %dma_wait3A_27 = tpu.memref_slice %arg10[%dma_wait3A_25, %dma_wait3A_26] : memref<10112x128xf32, #tpu.memory_space<vmem_shared>> -> memref<10112x128xf32, #tpu.memory_space<vmem_shared>>
        tpu.wait_indirect_dma semaphore(%run_scoped3A : memref<!tpu.dma_semaphore, #tpu.memory_space<semaphore_mem>>) src(%arg9 : memref<128x128xf32, #tpu.memory_space<vmem>>) dst(%dma_wait3A_27 : memref<10112x128xf32, #tpu.memory_space<vmem_shared>>)
        tpu.yield
      }) : () -> ()
    }
    %scan3A_6 = arith.constant 80 : i32
    %barrier3A_7 = arith.constant 0 : index
    tpu.barrier barrier_id(%barrier3A_7)
    "tpu.region"() ({
      %run_scoped3A = tpu.sem_alloc : memref<!tpu.dma_semaphore, #tpu.memory_space<semaphore_mem>>
      %dma_start3A = arith.constant 0 : i32
      %dma_start3A_8 = tpu.memref_slice %arg6[%arg0, %mul3A_2, %dma_start3A] : memref<2x10112x128xf32, #tpu.memory_space<hbm>> -> memref<1x632x128xf32, #tpu.memory_space<hbm>>
      %dma_start3A_9 = tpu.memref_squeeze %dma_start3A_8 : memref<1x632x128xf32, #tpu.memory_space<hbm>> -> memref<632x128xf32, #tpu.memory_space<hbm>>
      %dma_start3A_10 = arith.constant 0 : i32
      %dma_start3A_11 = tpu.memref_slice %arg10[%mul3A_2, %dma_start3A_10] : memref<10112x128xf32, #tpu.memory_space<vmem_shared>> -> memref<632x128xf32, #tpu.memory_space<vmem_shared>>
      tpu.enqueue_dma source(%dma_start3A_11 : memref<632x128xf32, #tpu.memory_space<vmem_shared>>) target(%dma_start3A_9 : memref<632x128xf32, #tpu.memory_space<hbm>>) target_semaphore(%run_scoped3A : memref<!tpu.dma_semaphore, #tpu.memory_space<semaphore_mem>>)
      %dma_wait3A = arith.constant 0 : i32
      %dma_wait3A_12 = tpu.memref_slice %arg6[%arg0, %mul3A_2, %dma_wait3A] : memref<2x10112x128xf32, #tpu.memory_space<hbm>> -> memref<1x632x128xf32, #tpu.memory_space<hbm>>
      %dma_wait3A_13 = tpu.memref_squeeze %dma_wait3A_12 : memref<1x632x128xf32, #tpu.memory_space<hbm>> -> memref<632x128xf32, #tpu.memory_space<hbm>>
      %dma_wait3A_14 = arith.constant 0 : i32
      %dma_wait3A_15 = tpu.memref_slice %arg10[%mul3A_2, %dma_wait3A_14] : memref<10112x128xf32, #tpu.memory_space<vmem_shared>> -> memref<632x128xf32, #tpu.memory_space<vmem_shared>>
      tpu.wait_dma2 semaphore(%run_scoped3A : memref<!tpu.dma_semaphore, #tpu.memory_space<semaphore_mem>>) src(%dma_wait3A_15 : memref<632x128xf32, #tpu.memory_space<vmem_shared>>) dst(%dma_wait3A_13 : memref<632x128xf32, #tpu.memory_space<hbm>>)
      tpu.yield
    }) : () -> ()
    return
  }
}

#map = affine_map<(d0, d1) -> (0, 0)>
#map1 = affine_map<(d0, d1) -> (0)>
#map2 = affine_map<(d0, d1) -> (0, 0, 0)>
module attributes {stable_mosaic.version = 14 : i64} {
  func.func @_spmm_body(%arg0: i32, %arg1: i32, %arg2: memref<10000x128xf32, #tpu.memory_space<hbm>>, %arg3: memref<327680xi32, #tpu.memory_space<hbm>>, %arg4: memref<327680xi32, #tpu.memory_space<hbm>>, %arg5: memref<10112x128xf32, #tpu.memory_space<hbm>>, %arg6: memref<2x10112x128xf32, #tpu.memory_space<hbm>>, %arg7: memref<128xi32, #tpu.memory_space<vmem>>, %arg8: memref<128xi32, #tpu.memory_space<vmem>>, %arg9: memref<128x128xf32, #tpu.memory_space<vmem>>, %arg10: memref<10112x128xf32, #tpu.memory_space<vmem_shared>>, %arg11: memref<!tpu.dma_semaphore, #tpu.memory_space<semaphore_mem>>) attributes {dimension_semantics = [#tpu.dimension_semantics<core_parallel>, #tpu.dimension_semantics<subcore_parallel>], iteration_bounds = array<i64: 2, 16>, scalar_prefetch = 0 : i64, scratch_operands = 5 : i64, tpu.core_type = #tpu.core_type<sc_vector_subcore>, window_params = [{transform_indices = #map}, {transform_indices = #map1}, {transform_indices = #map1}, {transform_indices = #map}, {transform_indices = #map2}]} {
    %mul3A = arith.constant 2 : i32
    %mul3A_0 = arith.muli %arg1, %mul3A : i32
    %add3A = arith.addi %mul3A_0, %arg0 : i32
    %mul3A_1 = arith.constant 632 : i32
    %mul3A_2 = arith.muli %arg1, %mul3A_1 : i32
    "tpu.region"() ({
      %run_scoped3A = tpu.sem_alloc : memref<!tpu.dma_semaphore, #tpu.memory_space<semaphore_mem>>
      %dma_start3A = arith.constant 0 : i32
      %dma_start3A_8 = tpu.memref_slice %arg10[%mul3A_2, %dma_start3A] : memref<10112x128xf32, #tpu.memory_space<vmem_shared>> -> memref<632x128xf32, #tpu.memory_space<vmem_shared>>
      %dma_start3A_9 = arith.constant 0 : i32
      %dma_start3A_10 = tpu.memref_slice %arg5[%mul3A_2, %dma_start3A_9] : memref<10112x128xf32, #tpu.memory_space<hbm>> -> memref<632x128xf32, #tpu.memory_space<hbm>>
      tpu.enqueue_dma source(%dma_start3A_10 : memref<632x128xf32, #tpu.memory_space<hbm>>) target(%dma_start3A_8 : memref<632x128xf32, #tpu.memory_space<vmem_shared>>) target_semaphore(%run_scoped3A : memref<!tpu.dma_semaphore, #tpu.memory_space<semaphore_mem>>)
      %dma_wait3A = arith.constant 0 : i32
      %dma_wait3A_11 = tpu.memref_slice %arg10[%mul3A_2, %dma_wait3A] : memref<10112x128xf32, #tpu.memory_space<vmem_shared>> -> memref<632x128xf32, #tpu.memory_space<vmem_shared>>
      %dma_wait3A_12 = arith.constant 0 : i32
      %dma_wait3A_13 = tpu.memref_slice %arg5[%mul3A_2, %dma_wait3A_12] : memref<10112x128xf32, #tpu.memory_space<hbm>> -> memref<632x128xf32, #tpu.memory_space<hbm>>
      tpu.wait_dma2 semaphore(%run_scoped3A : memref<!tpu.dma_semaphore, #tpu.memory_space<semaphore_mem>>) src(%dma_wait3A_13 : memref<632x128xf32, #tpu.memory_space<hbm>>) dst(%dma_wait3A_11 : memref<632x128xf32, #tpu.memory_space<vmem_shared>>)
      tpu.yield
    }) : () -> ()
    %barrier3A = arith.constant 0 : index
    tpu.barrier barrier_id(%barrier3A)
    %scan3A = arith.constant 0 : i32
    %scan3A_3 = arith.constant 80 : i32
    %scan3A_4 = arith.addi %scan3A, %scan3A_3 : i32
    %scan3A_5 = arith.constant 1 : i32
    scf.for %scan3A_8 = %scan3A to %scan3A_4 step %scan3A_5  : i32 {
      %mul3A_9 = arith.constant 1 : i32
      %mul3A_10 = arith.muli %scan3A_8, %mul3A_9 : i32
      %add3A_11 = arith.constant 0 : i32
      %add3A_12 = arith.addi %add3A_11, %mul3A_10 : i32
      %mul3A_13 = arith.constant 80 : i32
      %mul3A_14 = arith.muli %add3A, %mul3A_13 : i32
      %add3A_15 = arith.addi %mul3A_14, %add3A_12 : i32
      %mul3A_16 = arith.constant 128 : i32
      %mul3A_17 = arith.muli %add3A_15, %mul3A_16 : i32
      "tpu.region"() ({
        %run_scoped3A = tpu.sem_alloc : memref<!tpu.dma_semaphore, #tpu.memory_space<semaphore_mem>>
        %dma_start3A_22 = tpu.memref_slice %arg3[%mul3A_17] : memref<327680xi32, #tpu.memory_space<hbm>> -> memref<128xi32, #tpu.memory_space<hbm>>
        %dma_start3A_23 = tpu.memref_slice %arg3[%mul3A_17] : memref<327680xi32, #tpu.memory_space<hbm>> -> memref<128xi32, #tpu.memory_space<hbm>>
        tpu.enqueue_dma source(%dma_start3A_23 : memref<128xi32, #tpu.memory_space<hbm>>) target(%arg7 : memref<128xi32, #tpu.memory_space<vmem>>) target_semaphore(%run_scoped3A : memref<!tpu.dma_semaphore, #tpu.memory_space<semaphore_mem>>)
        %dma_wait3A_24 = tpu.memref_slice %arg3[%mul3A_17] : memref<327680xi32, #tpu.memory_space<hbm>> -> memref<128xi32, #tpu.memory_space<hbm>>
        %dma_wait3A_25 = tpu.memref_slice %arg3[%mul3A_17] : memref<327680xi32, #tpu.memory_space<hbm>> -> memref<128xi32, #tpu.memory_space<hbm>>
        tpu.wait_dma2 semaphore(%run_scoped3A : memref<!tpu.dma_semaphore, #tpu.memory_space<semaphore_mem>>) src(%dma_wait3A_25 : memref<128xi32, #tpu.memory_space<hbm>>) dst(%arg7 : memref<128xi32, #tpu.memory_space<vmem>>)
        tpu.yield
      }) : () -> ()
      "tpu.region"() ({
        %run_scoped3A = tpu.sem_alloc : memref<!tpu.dma_semaphore, #tpu.memory_space<semaphore_mem>>
        %dma_start3A_22 = tpu.memref_slice %arg4[%mul3A_17] : memref<327680xi32, #tpu.memory_space<hbm>> -> memref<128xi32, #tpu.memory_space<hbm>>
        %dma_start3A_23 = tpu.memref_slice %arg4[%mul3A_17] : memref<327680xi32, #tpu.memory_space<hbm>> -> memref<128xi32, #tpu.memory_space<hbm>>
        tpu.enqueue_dma source(%dma_start3A_23 : memref<128xi32, #tpu.memory_space<hbm>>) target(%arg8 : memref<128xi32, #tpu.memory_space<vmem>>) target_semaphore(%run_scoped3A : memref<!tpu.dma_semaphore, #tpu.memory_space<semaphore_mem>>)
        %dma_wait3A_24 = tpu.memref_slice %arg4[%mul3A_17] : memref<327680xi32, #tpu.memory_space<hbm>> -> memref<128xi32, #tpu.memory_space<hbm>>
        %dma_wait3A_25 = tpu.memref_slice %arg4[%mul3A_17] : memref<327680xi32, #tpu.memory_space<hbm>> -> memref<128xi32, #tpu.memory_space<hbm>>
        tpu.wait_dma2 semaphore(%run_scoped3A : memref<!tpu.dma_semaphore, #tpu.memory_space<semaphore_mem>>) src(%dma_wait3A_25 : memref<128xi32, #tpu.memory_space<hbm>>) dst(%arg8 : memref<128xi32, #tpu.memory_space<vmem>>)
        tpu.yield
      }) : () -> ()
      %dma_start3A = arith.constant 0 : i32
      %dma_start3A_18 = arith.constant 0 : i32
      %dma_start3A_19 = tpu.memref_slice %arg2[%dma_start3A, %dma_start3A_18] : memref<10000x128xf32, #tpu.memory_space<hbm>> -> memref<10000x128xf32, #tpu.memory_space<hbm>>
      tpu.enqueue_indirect_dma source(%dma_start3A_19 : memref<10000x128xf32, #tpu.memory_space<hbm>>) target(%arg9 : memref<128x128xf32, #tpu.memory_space<vmem>>) offsets(%arg7 : memref<128xi32, #tpu.memory_space<vmem>>) semaphore(%arg11 : memref<!tpu.dma_semaphore, #tpu.memory_space<semaphore_mem>>)
      %dma_wait3A = arith.constant 0 : i32
      %dma_wait3A_20 = arith.constant 0 : i32
      %dma_wait3A_21 = tpu.memref_slice %arg2[%dma_wait3A, %dma_wait3A_20] : memref<10000x128xf32, #tpu.memory_space<hbm>> -> memref<10000x128xf32, #tpu.memory_space<hbm>>
      tpu.wait_indirect_dma semaphore(%arg11 : memref<!tpu.dma_semaphore, #tpu.memory_space<semaphore_mem>>) src(%dma_wait3A_21 : memref<10000x128xf32, #tpu.memory_space<hbm>>) dst(%arg9 : memref<128x128xf32, #tpu.memory_space<vmem>>)
      "tpu.region"() ({
        %run_scoped3A = tpu.sem_alloc : memref<!tpu.dma_semaphore, #tpu.memory_space<semaphore_mem>>
        %dma_start3A_22 = arith.constant 0 : i32
        %dma_start3A_23 = arith.constant 0 : i32
        %dma_start3A_24 = tpu.memref_slice %arg10[%dma_start3A_22, %dma_start3A_23] : memref<10112x128xf32, #tpu.memory_space<vmem_shared>> -> memref<10112x128xf32, #tpu.memory_space<vmem_shared>>
        tpu.enqueue_indirect_dma source(%arg9 : memref<128x128xf32, #tpu.memory_space<vmem>>) target(%dma_start3A_24 : memref<10112x128xf32, #tpu.memory_space<vmem_shared>>) offsets(%arg8 : memref<128xi32, #tpu.memory_space<vmem>>) semaphore(%run_scoped3A : memref<!tpu.dma_semaphore, #tpu.memory_space<semaphore_mem>>) {add = true}
        %dma_wait3A_25 = arith.constant 0 : i32
        %dma_wait3A_26 = arith.constant 0 : i32
        %dma_wait3A_27 = tpu.memref_slice %arg10[%dma_wait3A_25, %dma_wait3A_26] : memref<10112x128xf32, #tpu.memory_space<vmem_shared>> -> memref<10112x128xf32, #tpu.memory_space<vmem_shared>>
        tpu.wait_indirect_dma semaphore(%run_scoped3A : memref<!tpu.dma_semaphore, #tpu.memory_space<semaphore_mem>>) src(%arg9 : memref<128x128xf32, #tpu.memory_space<vmem>>) dst(%dma_wait3A_27 : memref<10112x128xf32, #tpu.memory_space<vmem_shared>>)
        tpu.yield
      }) : () -> ()
    }
    %scan3A_6 = arith.constant 80 : i32
    %barrier3A_7 = arith.constant 0 : index
    tpu.barrier barrier_id(%barrier3A_7)
    "tpu.region"() ({
      %run_scoped3A = tpu.sem_alloc : memref<!tpu.dma_semaphore, #tpu.memory_space<semaphore_mem>>
      %dma_start3A = arith.constant 0 : i32
      %dma_start3A_8 = tpu.memref_slice %arg6[%arg0, %mul3A_2, %dma_start3A] : memref<2x10112x128xf32, #tpu.memory_space<hbm>> -> memref<1x632x128xf32, #tpu.memory_space<hbm>>
      %dma_start3A_9 = tpu.memref_squeeze %dma_start3A_8 : memref<1x632x128xf32, #tpu.memory_space<hbm>> -> memref<632x128xf32, #tpu.memory_space<hbm>>
      %dma_start3A_10 = arith.constant 0 : i32
      %dma_start3A_11 = tpu.memref_slice %arg10[%mul3A_2, %dma_start3A_10] : memref<10112x128xf32, #tpu.memory_space<vmem_shared>> -> memref<632x128xf32, #tpu.memory_space<vmem_shared>>
      tpu.enqueue_dma source(%dma_start3A_11 : memref<632x128xf32, #tpu.memory_space<vmem_shared>>) target(%dma_start3A_9 : memref<632x128xf32, #tpu.memory_space<hbm>>) target_semaphore(%run_scoped3A : memref<!tpu.dma_semaphore, #tpu.memory_space<semaphore_mem>>)
      %dma_wait3A = arith.constant 0 : i32
      %dma_wait3A_12 = tpu.memref_slice %arg6[%arg0, %mul3A_2, %dma_wait3A] : memref<2x10112x128xf32, #tpu.memory_space<hbm>> -> memref<1x632x128xf32, #tpu.memory_space<hbm>>
      %dma_wait3A_13 = tpu.memref_squeeze %dma_wait3A_12 : memref<1x632x128xf32, #tpu.memory_space<hbm>> -> memref<632x128xf32, #tpu.memory_space<hbm>>
      %dma_wait3A_14 = arith.constant 0 : i32
      %dma_wait3A_15 = tpu.memref_slice %arg10[%mul3A_2, %dma_wait3A_14] : memref<10112x128xf32, #tpu.memory_space<vmem_shared>> -> memref<632x128xf32, #tpu.memory_space<vmem_shared>>
      tpu.wait_dma2 semaphore(%run_scoped3A : memref<!tpu.dma_semaphore, #tpu.memory_space<semaphore_mem>>) src(%dma_wait3A_15 : memref<632x128xf32, #tpu.memory_space<vmem_shared>>) dst(%dma_wait3A_13 : memref<632x128xf32, #tpu.memory_space<hbm>>)
      tpu.yield
    }) : () -> ()
    return
  }
}

module attributes {stable_mosaic.version = 14 : i64} {
  func.func @_prep_body(%arg0: i32, %arg1: memref<1000x128xf32, #tpu.memory_space<vmem>>, %arg2: memref<128x128xf32, #tpu.memory_space<vmem>>, %arg3: memref<1000x128xf32, #tpu.memory_space<vmem>>, %arg4: memref<1000x128xf32, #tpu.memory_space<vmem>>, %arg5: memref<1000x128xf32, #tpu.memory_space<vmem>>) attributes {dimension_semantics = [#tpu.dimension_semantics<arbitrary>], iteration_bounds = array<i64: 10>, scalar_prefetch = 0 : i64, scratch_operands = 0 : i64, tpu.core_type = #tpu.core_type<tc>, window_params = [{transform_indices = @transform_0, window_bounds = array<i64: 1000, 128>}, {pipeline_mode = #tpu.pipeline_mode<synchronous>, transform_indices = @transform_1, window_bounds = array<i64: 128, 128>}, {transform_indices = @transform_2, window_bounds = array<i64: 1000, 128>}, {transform_indices = @transform_3, window_bounds = array<i64: 1000, 128>}, {transform_indices = @transform_4, window_bounds = array<i64: 1000, 128>}]} {
    %get3A = arith.constant 0 : index
    %get3A_0 = arith.constant 0 : index
    %get3A_1 = vector.load %arg1[%get3A, %get3A_0] : memref<1000x128xf32, #tpu.memory_space<vmem>>, vector<1000x128xf32>
    %get3A_2 = arith.constant 0 : index
    %get3A_3 = arith.constant 0 : index
    %get3A_4 = vector.load %arg2[%get3A_2, %get3A_3] : memref<128x128xf32, #tpu.memory_space<vmem>>, vector<128x128xf32>
    %dot_general3A = arith.constant dense<0.000000e+00> : vector<1000x128xf32>
    %dot_general3A_5 = tpu.matmul %get3A_1, %get3A_4, %dot_general3A {dimension_numbers = #tpu.dot_dimension_numbers<[1], [0], [0], [1], [0, 0, 1, 1], [], []>, transpose_lhs_hint = false} : vector<1000x128xf32>, vector<128x128xf32>, vector<1000x128xf32> -> vector<1000x128xf32>
    %get3A_6 = arith.constant 0 : index
    %get3A_7 = arith.constant 0 : index
    %get3A_8 = vector.load %arg3[%get3A_6, %get3A_7] : memref<1000x128xf32, #tpu.memory_space<vmem>>, vector<1000x1xf32>
    %get3A_9 = arith.constant 0 : index
    %get3A_10 = arith.constant 0 : index
    %get3A_11 = vector.load %arg4[%get3A_9, %get3A_10] : memref<1000x128xf32, #tpu.memory_space<vmem>>, vector<1000x1xf32>
    %add3A = arith.addf %get3A_8, %get3A_11 : vector<1000x1xf32>
    %add3A_12 = arith.constant 1.000000e+00 : f32
    %add3A_13 = vector.broadcast %add3A_12 : f32 to vector<1000x1xf32>
    %add3A_14 = arith.addf %add3A, %add3A_13 : vector<1000x1xf32>
    %rsqrt3A = math.rsqrt %add3A_14 : vector<1000x1xf32>
    %mul3A = vector.broadcast %rsqrt3A : vector<1000x1xf32> to vector<1000x128xf32>
    %mul3A_15 = arith.mulf %dot_general3A_5, %mul3A : vector<1000x128xf32>
    %swap3A = arith.constant 0 : index
    %swap3A_16 = arith.constant 0 : index
    %swap3A_17 = vector.load %arg5[%swap3A, %swap3A_16] : memref<1000x128xf32, #tpu.memory_space<vmem>>, vector<1000x128xf32>
    tpu.vector_store %arg5[%swap3A, %swap3A_16], %mul3A_15 {strides = array<i32>} : memref<1000x128xf32, #tpu.memory_space<vmem>>, vector<1000x128xf32>,
    return
  }
  func.func @transform_0(%arg0: i32) -> (i32, i32) {
    %c0_i32 = arith.constant 0 : i32
    %c0_i32_0 = arith.constant 0 : i32
    return %arg0, %c0_i32 : i32, i32
  }
  func.func @transform_1(%arg0: i32) -> (i32, i32) {
    %c0_i32 = arith.constant 0 : i32
    %c0_i32_0 = arith.constant 0 : i32
    %c0_i32_1 = arith.constant 0 : i32
    return %c0_i32, %c0_i32_0 : i32, i32
  }
  func.func @transform_2(%arg0: i32) -> (i32, i32) {
    %c0_i32 = arith.constant 0 : i32
    %c0_i32_0 = arith.constant 0 : i32
    return %arg0, %c0_i32 : i32, i32
  }
  func.func @transform_3(%arg0: i32) -> (i32, i32) {
    %c0_i32 = arith.constant 0 : i32
    %c0_i32_0 = arith.constant 0 : i32
    return %arg0, %c0_i32 : i32, i32
  }
  func.func @transform_4(%arg0: i32) -> (i32, i32) {
    %c0_i32 = arith.constant 0 : i32
    %c0_i32_0 = arith.constant 0 : i32
    return %arg0, %c0_i32 : i32, i32
  }
}

module attributes {stable_mosaic.version = 14 : i64} {
  func.func @_mid_body(%arg0: i32, %arg1: memref<1000x128xf32, #tpu.memory_space<vmem>>, %arg2: memref<1000x128xf32, #tpu.memory_space<vmem>>, %arg3: memref<1000x128xf32, #tpu.memory_space<vmem>>, %arg4: memref<1000x128xf32, #tpu.memory_space<vmem>>, %arg5: memref<1000x128xf32, #tpu.memory_space<vmem>>, %arg6: memref<1x128xf32, #tpu.memory_space<vmem>>, %arg7: memref<128x128xf32, #tpu.memory_space<vmem>>, %arg8: memref<1000x128xf32, #tpu.memory_space<vmem>>) attributes {dimension_semantics = [#tpu.dimension_semantics<arbitrary>], iteration_bounds = array<i64: 10>, scalar_prefetch = 0 : i64, scratch_operands = 0 : i64, tpu.core_type = #tpu.core_type<tc>, window_params = [{transform_indices = @transform_0, window_bounds = array<i64: 1000, 128>}, {transform_indices = @transform_1, window_bounds = array<i64: 1000, 128>}, {transform_indices = @transform_2, window_bounds = array<i64: 1000, 128>}, {transform_indices = @transform_3, window_bounds = array<i64: 1000, 128>}, {transform_indices = @transform_4, window_bounds = array<i64: 1000, 128>}, {pipeline_mode = #tpu.pipeline_mode<synchronous>, transform_indices = @transform_5, window_bounds = array<i64: 1, 128>}, {pipeline_mode = #tpu.pipeline_mode<synchronous>, transform_indices = @transform_6, window_bounds = array<i64: 128, 128>}, {transform_indices = @transform_7, window_bounds = array<i64: 1000, 128>}]} {
    %get3A = arith.constant 0 : index
    %get3A_0 = arith.constant 0 : index
    %get3A_1 = vector.load %arg4[%get3A, %get3A_0] : memref<1000x128xf32, #tpu.memory_space<vmem>>, vector<1000x1xf32>
    %get3A_2 = arith.constant 0 : index
    %get3A_3 = arith.constant 0 : index
    %get3A_4 = vector.load %arg5[%get3A_2, %get3A_3] : memref<1000x128xf32, #tpu.memory_space<vmem>>, vector<1000x1xf32>
    %add3A = arith.addf %get3A_1, %get3A_4 : vector<1000x1xf32>
    %add3A_5 = arith.constant 1.000000e+00 : f32
    %add3A_6 = vector.broadcast %add3A_5 : f32 to vector<1000x1xf32>
    %add3A_7 = arith.addf %add3A, %add3A_6 : vector<1000x1xf32>
    %rsqrt3A = math.rsqrt %add3A_7 : vector<1000x1xf32>
    %get3A_8 = arith.constant 0 : index
    %get3A_9 = arith.constant 0 : index
    %get3A_10 = vector.load %arg1[%get3A_8, %get3A_9] : memref<1000x128xf32, #tpu.memory_space<vmem>>, vector<1000x128xf32>
    %get3A_11 = arith.constant 0 : index
    %get3A_12 = arith.constant 0 : index
    %get3A_13 = vector.load %arg2[%get3A_11, %get3A_12] : memref<1000x128xf32, #tpu.memory_space<vmem>>, vector<1000x128xf32>
    %add3A_14 = arith.addf %get3A_10, %get3A_13 : vector<1000x128xf32>
    %get3A_15 = arith.constant 0 : index
    %get3A_16 = arith.constant 0 : index
    %get3A_17 = vector.load %arg3[%get3A_15, %get3A_16] : memref<1000x128xf32, #tpu.memory_space<vmem>>, vector<1000x128xf32>
    %add3A_18 = arith.addf %add3A_14, %get3A_17 : vector<1000x128xf32>
    %mul3A = vector.broadcast %rsqrt3A : vector<1000x1xf32> to vector<1000x128xf32>
    %mul3A_19 = arith.mulf %mul3A, %add3A_18 : vector<1000x128xf32>
    %get3A_20 = arith.constant 0 : index
    %get3A_21 = arith.constant 0 : index
    %get3A_22 = vector.load %arg6[%get3A_20, %get3A_21] : memref<1x128xf32, #tpu.memory_space<vmem>>, vector<1x128xf32>
    %add3A_23 = vector.broadcast %get3A_22 : vector<1x128xf32> to vector<1000x128xf32>
    %add3A_24 = arith.addf %mul3A_19, %add3A_23 : vector<1000x128xf32>
    %max3A = arith.constant 0.000000e+00 : f32
    %max3A_25 = vector.broadcast %max3A : f32 to vector<1000x128xf32>
    %max3A_26 = arith.maximumf %add3A_24, %max3A_25 : vector<1000x128xf32>
    %get3A_27 = arith.constant 0 : index
    %get3A_28 = arith.constant 0 : index
    %get3A_29 = vector.load %arg7[%get3A_27, %get3A_28] : memref<128x128xf32, #tpu.memory_space<vmem>>, vector<128x128xf32>
    %dot_general3A = arith.constant dense<0.000000e+00> : vector<1000x128xf32>
    %dot_general3A_30 = tpu.matmul %max3A_26, %get3A_29, %dot_general3A {dimension_numbers = #tpu.dot_dimension_numbers<[1], [0], [0], [1], [0, 0, 1, 1], [], []>, transpose_lhs_hint = false} : vector<1000x128xf32>, vector<128x128xf32>, vector<1000x128xf32> -> vector<1000x128xf32>
    %mul3A_31 = vector.broadcast %rsqrt3A : vector<1000x1xf32> to vector<1000x128xf32>
    %mul3A_32 = arith.mulf %dot_general3A_30, %mul3A_31 : vector<1000x128xf32>
    %swap3A = arith.constant 0 : index
    %swap3A_33 = arith.constant 0 : index
    %swap3A_34 = vector.load %arg8[%swap3A, %swap3A_33] : memref<1000x128xf32, #tpu.memory_space<vmem>>, vector<1000x128xf32>
    tpu.vector_store %arg8[%swap3A, %swap3A_33], %mul3A_32 {strides = array<i32>} : memref<1000x128xf32, #tpu.memory_space<vmem>>, vector<1000x128xf32>,
    return
  }
  func.func @transform_0(%arg0: i32) -> (i32, i32) {
    %c0_i32 = arith.constant 0 : i32
    %c0_i32_0 = arith.constant 0 : i32
    return %arg0, %c0_i32 : i32, i32
  }
  func.func @transform_1(%arg0: i32) -> (i32, i32) {
    %c0_i32 = arith.constant 0 : i32
    %c0_i32_0 = arith.constant 0 : i32
    return %arg0, %c0_i32 : i32, i32
  }
  func.func @transform_2(%arg0: i32) -> (i32, i32) {
    %c0_i32 = arith.constant 0 : i32
    %c0_i32_0 = arith.constant 0 : i32
    return %arg0, %c0_i32 : i32, i32
  }
  func.func @transform_3(%arg0: i32) -> (i32, i32) {
    %c0_i32 = arith.constant 0 : i32
    %c0_i32_0 = arith.constant 0 : i32
    return %arg0, %c0_i32 : i32, i32
  }
  func.func @transform_4(%arg0: i32) -> (i32, i32) {
    %c0_i32 = arith.constant 0 : i32
    %c0_i32_0 = arith.constant 0 : i32
    return %arg0, %c0_i32 : i32, i32
  }
  func.func @transform_5(%arg0: i32) -> (i32, i32) {
    %c0_i32 = arith.constant 0 : i32
    %c0_i32_0 = arith.constant 0 : i32
    %c0_i32_1 = arith.constant 0 : i32
    return %c0_i32, %c0_i32_0 : i32, i32
  }
  func.func @transform_6(%arg0: i32) -> (i32, i32) {
    %c0_i32 = arith.constant 0 : i32
    %c0_i32_0 = arith.constant 0 : i32
    %c0_i32_1 = arith.constant 0 : i32
    return %c0_i32, %c0_i32_0 : i32, i32
  }
  func.func @transform_7(%arg0: i32) -> (i32, i32) {
    %c0_i32 = arith.constant 0 : i32
    %c0_i32_0 = arith.constant 0 : i32
    return %arg0, %c0_i32 : i32, i32
  }
}

module attributes {stable_mosaic.version = 14 : i64} {
  func.func @_final_body(%arg0: i32, %arg1: memref<1000x128xf32, #tpu.memory_space<vmem>>, %arg2: memref<1000x128xf32, #tpu.memory_space<vmem>>, %arg3: memref<1000x128xf32, #tpu.memory_space<vmem>>, %arg4: memref<1000x128xf32, #tpu.memory_space<vmem>>, %arg5: memref<1000x128xf32, #tpu.memory_space<vmem>>, %arg6: memref<1x128xf32, #tpu.memory_space<vmem>>, %arg7: memref<1000x1xf32, #tpu.memory_space<vmem>>, %arg8: memref<128x1000xf32, #tpu.memory_space<vmem>>, %arg9: memref<1x1000xf32, #tpu.memory_space<vmem>>, %arg10: memref<64x1000xf32, #tpu.memory_space<vmem>>, %arg11: memref<64x128xf32, #tpu.memory_space<vmem>>, %arg12: memref<64x128xf32, #tpu.memory_space<vmem>>) attributes {dimension_semantics = [#tpu.dimension_semantics<arbitrary>], iteration_bounds = array<i64: 10>, scalar_prefetch = 0 : i64, scratch_operands = 2 : i64, tpu.core_type = #tpu.core_type<tc>, window_params = [{transform_indices = @transform_0, window_bounds = array<i64: 1000, 128>}, {transform_indices = @transform_1, window_bounds = array<i64: 1000, 128>}, {transform_indices = @transform_2, window_bounds = array<i64: 1000, 128>}, {transform_indices = @transform_3, window_bounds = array<i64: 1000, 128>}, {transform_indices = @transform_4, window_bounds = array<i64: 1000, 128>}, {pipeline_mode = #tpu.pipeline_mode<synchronous>, transform_indices = @transform_5, window_bounds = array<i64: 1, 128>}, {transform_indices = @transform_6, window_bounds = array<i64: 1000, 1>}, {pipeline_mode = #tpu.pipeline_mode<synchronous>, transform_indices = @transform_7, window_bounds = array<i64: 128, 1000>}, {pipeline_mode = #tpu.pipeline_mode<synchronous>, transform_indices = @transform_8, window_bounds = array<i64: 1, 1000>}, {pipeline_mode = #tpu.pipeline_mode<synchronous>, transform_indices = @transform_9, window_bounds = array<i64: 64, 1000>}]} {
    %get3A = arith.constant 0 : index
    %get3A_0 = arith.constant 0 : index
    %get3A_1 = vector.load %arg4[%get3A, %get3A_0] : memref<1000x128xf32, #tpu.memory_space<vmem>>, vector<1000x1xf32>
    %get3A_2 = arith.constant 0 : index
    %get3A_3 = arith.constant 0 : index
    %get3A_4 = vector.load %arg5[%get3A_2, %get3A_3] : memref<1000x128xf32, #tpu.memory_space<vmem>>, vector<1000x1xf32>
    %add3A = arith.addf %get3A_1, %get3A_4 : vector<1000x1xf32>
    %add3A_5 = arith.constant 1.000000e+00 : f32
    %add3A_6 = vector.broadcast %add3A_5 : f32 to vector<1000x1xf32>
    %add3A_7 = arith.addf %add3A, %add3A_6 : vector<1000x1xf32>
    %rsqrt3A = math.rsqrt %add3A_7 : vector<1000x1xf32>
    %get3A_8 = arith.constant 0 : index
    %get3A_9 = arith.constant 0 : index
    %get3A_10 = vector.load %arg1[%get3A_8, %get3A_9] : memref<1000x128xf32, #tpu.memory_space<vmem>>, vector<1000x128xf32>
    %get3A_11 = arith.constant 0 : index
    %get3A_12 = arith.constant 0 : index
    %get3A_13 = vector.load %arg2[%get3A_11, %get3A_12] : memref<1000x128xf32, #tpu.memory_space<vmem>>, vector<1000x128xf32>
    %add3A_14 = arith.addf %get3A_10, %get3A_13 : vector<1000x128xf32>
    %get3A_15 = arith.constant 0 : index
    %get3A_16 = arith.constant 0 : index
    %get3A_17 = vector.load %arg3[%get3A_15, %get3A_16] : memref<1000x128xf32, #tpu.memory_space<vmem>>, vector<1000x128xf32>
    %add3A_18 = arith.addf %add3A_14, %get3A_17 : vector<1000x128xf32>
    %mul3A = vector.broadcast %rsqrt3A : vector<1000x1xf32> to vector<1000x128xf32>
    %mul3A_19 = arith.mulf %mul3A, %add3A_18 : vector<1000x128xf32>
    %get3A_20 = arith.constant 0 : index
    %get3A_21 = arith.constant 0 : index
    %get3A_22 = vector.load %arg6[%get3A_20, %get3A_21] : memref<1x128xf32, #tpu.memory_space<vmem>>, vector<1x128xf32>
    %add3A_23 = vector.broadcast %get3A_22 : vector<1x128xf32> to vector<1000x128xf32>
    %add3A_24 = arith.addf %mul3A_19, %add3A_23 : vector<1000x128xf32>
    %max3A = arith.constant 0.000000e+00 : f32
    %max3A_25 = vector.broadcast %max3A : f32 to vector<1000x128xf32>
    %max3A_26 = arith.maximumf %add3A_24, %max3A_25 : vector<1000x128xf32>
    %iota3A = tpu.iota {dimensions = array<i32: 1>} : vector<1000x64xi32>
    %convert_element_type3A = arith.sitofp %iota3A : vector<1000x64xi32> to vector<1000x64xf32>
    %get3A_27 = arith.constant 0 : index
    %get3A_28 = arith.constant 0 : index
    %get3A_29 = vector.load %arg7[%get3A_27, %get3A_28] : memref<1000x1xf32, #tpu.memory_space<vmem>>, vector<1000x1xf32>
    %eq3A = vector.broadcast %get3A_29 : vector<1000x1xf32> to vector<1000x64xf32>
    %eq3A_30 = arith.cmpf oeq, %eq3A, %convert_element_type3A : vector<1000x64xf32>
    %convert_element_type3A_31 = arith.extui %eq3A_30 : vector<1000x64xi1> to vector<1000x64xi32>
    %convert_element_type3A_32 = arith.sitofp %convert_element_type3A_31 : vector<1000x64xi32> to vector<1000x64xf32>
    %eq3A_33 = arith.constant 0 : i32
    %eq3A_34 = arith.cmpi eq, %arg0, %eq3A_33 : i32
    %convert_element_type3A_35 = arith.extui %eq3A_34 : i1 to i32
    %cond3A = arith.constant 0 : i32
    %cond3A_36 = arith.cmpi ne, %convert_element_type3A_35, %cond3A : i32
    scf.if %cond3A_36 {
      %broadcast_in_dim3A_59 = arith.constant 0.000000e+00 : f32
      %broadcast_in_dim3A_60 = vector.broadcast %broadcast_in_dim3A_59 : f32 to vector<64x128xf32>
      %swap3A_61 = arith.constant 0 : index
      %swap3A_62 = arith.constant 0 : index
      %swap3A_63 = vector.load %arg11[%swap3A_61, %swap3A_62] : memref<64x128xf32, #tpu.memory_space<vmem>>, vector<64x128xf32>
      tpu.vector_store %arg11[%swap3A_61, %swap3A_62], %broadcast_in_dim3A_60 {strides = array<i32>} : memref<64x128xf32, #tpu.memory_space<vmem>>, vector<64x128xf32>,
      %broadcast_in_dim3A_64 = arith.constant 0.000000e+00 : f32
      %broadcast_in_dim3A_65 = vector.broadcast %broadcast_in_dim3A_64 : f32 to vector<64x128xf32>
      %swap3A_66 = arith.constant 0 : index
      %swap3A_67 = arith.constant 0 : index
      %swap3A_68 = vector.load %arg12[%swap3A_66, %swap3A_67] : memref<64x128xf32, #tpu.memory_space<vmem>>, vector<64x128xf32>
      tpu.vector_store %arg12[%swap3A_66, %swap3A_67], %broadcast_in_dim3A_65 {strides = array<i32>} : memref<64x128xf32, #tpu.memory_space<vmem>>, vector<64x128xf32>,
    } else {
    }
    %get3A_37 = arith.constant 0 : index
    %get3A_38 = arith.constant 0 : index
    %get3A_39 = vector.load %arg11[%get3A_37, %get3A_38] : memref<64x128xf32, #tpu.memory_space<vmem>>, vector<64x128xf32>
    %dot_general3A = arith.constant dense<0.000000e+00> : vector<64x128xf32>
    %dot_general3A_40 = tpu.matmul %convert_element_type3A_32, %max3A_26, %dot_general3A {dimension_numbers = #tpu.dot_dimension_numbers<[0], [0], [1], [1], [0, 1, 1, 1], [], []>, transpose_lhs_hint = false} : vector<1000x64xf32>, vector<1000x128xf32>, vector<64x128xf32> -> vector<64x128xf32>
    %add3A_41 = arith.addf %get3A_39, %dot_general3A_40 : vector<64x128xf32>
    %swap3A = arith.constant 0 : index
    %swap3A_42 = arith.constant 0 : index
    %swap3A_43 = vector.load %arg11[%swap3A, %swap3A_42] : memref<64x128xf32, #tpu.memory_space<vmem>>, vector<64x128xf32>
    tpu.vector_store %arg11[%swap3A, %swap3A_42], %add3A_41 {strides = array<i32>} : memref<64x128xf32, #tpu.memory_space<vmem>>, vector<64x128xf32>,
    %get3A_44 = arith.constant 0 : index
    %get3A_45 = arith.constant 0 : index
    %get3A_46 = vector.load %arg12[%get3A_44, %get3A_45] : memref<64x128xf32, #tpu.memory_space<vmem>>, vector<64x128xf32>
    %broadcast_in_dim3A = arith.constant 1.000000e+00 : f32
    %broadcast_in_dim3A_47 = vector.broadcast %broadcast_in_dim3A : f32 to vector<1000x128xf32>
    %dot_general3A_48 = arith.constant dense<0.000000e+00> : vector<64x128xf32>
    %dot_general3A_49 = tpu.matmul %convert_element_type3A_32, %broadcast_in_dim3A_47, %dot_general3A_48 {dimension_numbers = #tpu.dot_dimension_numbers<[0], [0], [1], [1], [0, 1, 1, 1], [], []>, transpose_lhs_hint = false} : vector<1000x64xf32>, vector<1000x128xf32>, vector<64x128xf32> -> vector<64x128xf32>
    %add3A_50 = arith.addf %get3A_46, %dot_general3A_49 : vector<64x128xf32>
    %swap3A_51 = arith.constant 0 : index
    %swap3A_52 = arith.constant 0 : index
    %swap3A_53 = vector.load %arg12[%swap3A_51, %swap3A_52] : memref<64x128xf32, #tpu.memory_space<vmem>>, vector<64x128xf32>
    tpu.vector_store %arg12[%swap3A_51, %swap3A_52], %add3A_50 {strides = array<i32>} : memref<64x128xf32, #tpu.memory_space<vmem>>, vector<64x128xf32>,
    %eq3A_54 = arith.constant 9 : i32
    %eq3A_55 = arith.cmpi eq, %arg0, %eq3A_54 : i32
    %convert_element_type3A_56 = arith.extui %eq3A_55 : i1 to i32
    %cond3A_57 = arith.constant 0 : i32
    %cond3A_58 = arith.cmpi ne, %convert_element_type3A_56, %cond3A_57 : i32
    scf.if %cond3A_58 {
      %get3A_59 = arith.constant 0 : index
      %get3A_60 = arith.constant 0 : index
      %get3A_61 = vector.load %arg11[%get3A_59, %get3A_60] : memref<64x128xf32, #tpu.memory_space<vmem>>, vector<64x128xf32>
      %get3A_62 = arith.constant 0 : index
      %get3A_63 = arith.constant 0 : index
      %get3A_64 = vector.load %arg12[%get3A_62, %get3A_63] : memref<64x128xf32, #tpu.memory_space<vmem>>, vector<64x128xf32>
      %max3A_65 = arith.constant 1.000000e+00 : f32
      %max3A_66 = vector.broadcast %max3A_65 : f32 to vector<64x128xf32>
      %max3A_67 = arith.maximumf %get3A_64, %max3A_66 : vector<64x128xf32>
      %div3A = arith.divf %get3A_61, %max3A_67 : vector<64x128xf32>
      %get3A_68 = arith.constant 0 : index
      %get3A_69 = arith.constant 0 : index
      %get3A_70 = vector.load %arg8[%get3A_68, %get3A_69] : memref<128x1000xf32, #tpu.memory_space<vmem>>, vector<128x1000xf32>
      %dot_general3A_71 = arith.constant dense<0.000000e+00> : vector<64x1000xf32>
      %dot_general3A_72 = tpu.matmul %div3A, %get3A_70, %dot_general3A_71 {dimension_numbers = #tpu.dot_dimension_numbers<[1], [0], [0], [1], [0, 0, 1, 1], [], []>, transpose_lhs_hint = false} : vector<64x128xf32>, vector<128x1000xf32>, vector<64x1000xf32> -> vector<64x1000xf32>
      %get3A_73 = arith.constant 0 : index
      %get3A_74 = arith.constant 0 : index
      %get3A_75 = vector.load %arg9[%get3A_73, %get3A_74] : memref<1x1000xf32, #tpu.memory_space<vmem>>, vector<1x1000xf32>
      %add3A_76 = vector.broadcast %get3A_75 : vector<1x1000xf32> to vector<64x1000xf32>
      %add3A_77 = arith.addf %dot_general3A_72, %add3A_76 : vector<64x1000xf32>
      %swap3A_78 = arith.constant 0 : index
      %swap3A_79 = arith.constant 0 : index
      %swap3A_80 = vector.load %arg10[%swap3A_78, %swap3A_79] : memref<64x1000xf32, #tpu.memory_space<vmem>>, vector<64x1000xf32>
      tpu.vector_store %arg10[%swap3A_78, %swap3A_79], %add3A_77 {strides = array<i32>} : memref<64x1000xf32, #tpu.memory_space<vmem>>, vector<64x1000xf32>,
    } else {
    }
    return
  }
  func.func @transform_0(%arg0: i32) -> (i32, i32) {
    %c0_i32 = arith.constant 0 : i32
    %c0_i32_0 = arith.constant 0 : i32
    return %arg0, %c0_i32 : i32, i32
  }
  func.func @transform_1(%arg0: i32) -> (i32, i32) {
    %c0_i32 = arith.constant 0 : i32
    %c0_i32_0 = arith.constant 0 : i32
    return %arg0, %c0_i32 : i32, i32
  }
  func.func @transform_2(%arg0: i32) -> (i32, i32) {
    %c0_i32 = arith.constant 0 : i32
    %c0_i32_0 = arith.constant 0 : i32
    return %arg0, %c0_i32 : i32, i32
  }
  func.func @transform_3(%arg0: i32) -> (i32, i32) {
    %c0_i32 = arith.constant 0 : i32
    %c0_i32_0 = arith.constant 0 : i32
    return %arg0, %c0_i32 : i32, i32
  }
  func.func @transform_4(%arg0: i32) -> (i32, i32) {
    %c0_i32 = arith.constant 0 : i32
    %c0_i32_0 = arith.constant 0 : i32
    return %arg0, %c0_i32 : i32, i32
  }
  func.func @transform_5(%arg0: i32) -> (i32, i32) {
    %c0_i32 = arith.constant 0 : i32
    %c0_i32_0 = arith.constant 0 : i32
    %c0_i32_1 = arith.constant 0 : i32
    return %c0_i32, %c0_i32_0 : i32, i32
  }
  func.func @transform_6(%arg0: i32) -> (i32, i32) {
    %c0_i32 = arith.constant 0 : i32
    %c0_i32_0 = arith.constant 0 : i32
    return %arg0, %c0_i32 : i32, i32
  }
  func.func @transform_7(%arg0: i32) -> (i32, i32) {
    %c0_i32 = arith.constant 0 : i32
    %c0_i32_0 = arith.constant 0 : i32
    %c0_i32_1 = arith.constant 0 : i32
    return %c0_i32, %c0_i32_0 : i32, i32
  }
  func.func @transform_8(%arg0: i32) -> (i32, i32) {
    %c0_i32 = arith.constant 0 : i32
    %c0_i32_0 = arith.constant 0 : i32
    %c0_i32_1 = arith.constant 0 : i32
    return %c0_i32, %c0_i32_0 : i32, i32
  }
  func.func @transform_9(%arg0: i32) -> (i32, i32) {
    %c0_i32 = arith.constant 0 : i32
    %c0_i32_0 = arith.constant 0 : i32
    %c0_i32_1 = arith.constant 0 : i32
    return %c0_i32, %c0_i32_0 : i32, i32
  }
}

</mosaic_0001>

<sc_bundles>
// kernel: kernel.11.cloned.1.call-start
scs
__scs_entry_jumppad:
0x0: {  	(pc) =	sbr.rel $0x88, $3  }
0x1: {  	(tag) =	ssettag $0x0;
	lr =	simm.s32 $0x1  }
0x2: {  	[smem:$0x3F98] =	sst lr;
	_ =	strace $0xD0000000  }
0x3: {  	_ = 	snop  }
0x4: {  	_ = 	snop  }
0x5: {  	_ = 	snop  }
0x6: {  	_ = 	snop  }
0x7: {  	_ = 	snop  }
__scs_overlays_trampoline_lowered:
0x8: {  	[smem:$0x3FA7] =	sst s0  }
0x9: {  	[smem:$0x3FA8] =	sst s1  }
0xa: {  	[smem:$0x3FA9] =	sst s2  }
0xb: {  	[smem:$0x3FAA] =	sst s3  }
0xc: {  	[smem:$0x3FAB] =	sst s4  }
0xd: {  	[smem:$0x3FAC] =	sst s5  }
0xe: {  	[smem:$0x3FAD] =	sst s6  }
0xf: {  	[smem:$0x3FAE] =	sst s7  }
0x10: {  	[smem:$0x3FAF] =	sst s8  }
0x11: {  	[smem:$0x3FB0] =	sst s9;
	s0 =	simm.s32 @!p0 $0x0  }
0x12: {  	s1 =	sld [smem:$0x3F96];
	s0 =	simm.s32 @p0 $0x1  }
0x13: {  	[smem:$0x3FB1] =	sst s0;
	s0 =	simm.s32 @!p1 $0x0  }
0x14: {  	s2 =	sld [smem:$0x3F95];
	s0 =	simm.s32 @p1 $0x1  }
0x15: {  	[smem:$0x3FB2] =	sst s0;
	s0 =	simm.s32 @!p2 $0x0  }
0x16: {  	s3 =	sld [smem:$0x3FDB];
	s0 =	simm.s32 @p2 $0x1  }
0x17: {  	s4 =	simm.s32 $0x1BF5;
	[smem:$0x3FB4] =	sst s0  }
0x18: {  	s0 =	sld [smem:$0x3F97];
	_ =	swait.ge [sflag:s4], $0x0  }
0x19: {  	s7 =	sld [smem:$0x3F98]  }
0x1a: {  	s8 =	sadd.s32 $0xFFFFE003, lr  }
0x1b: {  	s9 =	sadd.s32 $0xFFFFFEF7, lr;
	s5 =	simm.s32 $0xFFFFFFFF;
	p2 =	slt.u32 s8, $0xFFFFF086  }
0x1c: {  	p1 =	slt.u32 s9, $0xF7A;
	s5 =	simm.s32 @!p2 $0x0  }
0x1d: {  	s5 =	simm.s32 @p1 $0x1;
	p0 =	seq.s32 s7, s2  }
0x1e: {  	s7 =	smul.u32 @!p0 $0xF7A, s2;
	p2 =	seq.s32 @!p0 s5, $0x0  }
0x1f: {  	s9 =	smul.u32 $0xF7A, s1;
	s8 =	simm.s32 @!p0 $0x1BF5;
	p2 =	por !p2, p0  }
0x20: {  	[sflag:s8] =	ssyncset.s32 @!p0 $0xFFFFF086;
	s6 =	sadd.s32 @!p0 s3, s7;
	s7 =	simm.s32 @!p0 $0x108  }
0x21: {  	s3 =	sadd.s32 s3, s9;
	s6 =	sadd.s32 @!p0 $0x88, s6;
	s7 =	simm.s32 @p2 $0x1082  }
0x22: {  	[simem:s7], [sflag:s8] =	dma.local @!p0 [hbm:s6], $0xF7A  }
0x23: {  	s9 =	sor.u32 $0xD0000000, s2;
	s6 =	simm.s32 $0x108;
	_ =	swait.ge @!p0 [sflag:s8], $0x0  }
0x24: {  	s3 =	sadd.s32 $0x88, s3;
	s6 =	simm.s32 @!p1 $0x1082;
	[sflag:s4] =	ssyncset.s32 $0xFFFFF086  }
0x25: {  	[simem:s6], [sflag:s4] =	dma.local [hbm:s3], $0xF7A  }
0x26: {  	[smem:$0x3F98] =	sst s1;
	(tag) =	ssettag s2;
	_ =	strace s9  }
0x27: {  	s1 =	sld [smem:$0x3FA8]  }
0x28: {  	s2 =	sld [smem:$0x3FA9]  }
0x29: {  	s4 =	sld [smem:$0x3FAB]  }
0x2a: {  	p0 =	seq.s32 s5, $0x0;
	s5 =	sld [smem:$0x3FAC]  }
0x2b: {  	s6 =	sld [smem:$0x3FAD]  }
0x2c: {  	s7 =	sld [smem:$0x3FAE]  }
0x2d: {  	s3 =	simm.s32 $0x108;
	s8 =	sld [smem:$0x3FAF]  }
0x2e: {  	s3 =	simm.s32 @!p0 $0x1082;
	s9 =	sld [smem:$0x3FB0]  }
0x2f: {  	lr =	sadd.s32 s0, s3;
	s0 =	sld [smem:$0x3FA7]  }
0x30: {  	s3 =	sld [smem:$0x3FAA]  }
0x31: {  	[smem:$0x3FB3] =	sst s10  }
0x32: {  	s10 =	sld [smem:$0x3FB1];
	_ =	sdelay $0x3  }
0x33: {  	p0 =	seq.s32 s10, $0x1;
	s10 =	sld [smem:$0x3FB3];
	_ =	sdelay $0x3  }
0x34: {  	[smem:$0x3FB3] =	sst s10  }
0x35: {  	s10 =	sld [smem:$0x3FB2];
	_ =	sdelay $0x3  }
0x36: {  	p1 =	seq.s32 s10, $0x1;
	s10 =	sld [smem:$0x3FB3];
	_ =	sdelay $0x3  }
0x37: {  	[smem:$0x3FB3] =	sst s10  }
0x38: {  	s10 =	sld [smem:$0x3FB4]  }
0x39: {  	_ = 	snop;
	(pc) =	sbr.ind lr, $3  }
0x3a: {  	_ = 	snop  }
0x3b: {  	_ = 	snop  }
0x3c: {  	p2 =	seq.s32 s10, $0x1;
	s10 =	sld [smem:$0x3FB3]  }
0x3d: {  	_ =	shalt  }
0x3e: {  	_ =	shalt  }
0x3f: {  	_ =	shalt  }
0x40: {  	_ =	shalt  }
0x41: {  	_ =	shalt  }
0x42: {  	_ =	shalt  }
0x43: {  	_ =	shalt  }
0x44: {  	_ =	shalt  }
0x45: {  	_ =	shalt  }
0x46: {  	_ =	shalt  }
0x47: {  	_ =	shalt  }
0x48: {  	_ =	shalt  }
0x49: {  	_ =	shalt  }
0x4a: {  	_ =	shalt  }
0x4b: {  	_ =	shalt  }
0x4c: {  	_ =	shalt  }
0x4d: {  	_ =	shalt  }
0x4e: {  	_ =	shalt  }
0x4f: {  	_ =	shalt  }
0x50: {  	_ =	shalt  }
0x51: {  	_ =	shalt  }
0x52: {  	_ =	shalt  }
0x53: {  	_ =	shalt  }
0x54: {  	_ =	shalt  }
0x55: {  	_ =	shalt  }
0x56: {  	_ =	shalt  }
0x57: {  	_ =	shalt  }
0x58: {  	_ =	shalt  }
0x59: {  	_ =	shalt  }
0x5a: {  	_ =	shalt  }
0x5b: {  	_ =	shalt  }
0x5c: {  	_ =	shalt  }
0x5d: {  	_ =	shalt  }
0x5e: {  	_ =	shalt  }
0x5f: {  	_ =	shalt  }
0x60: {  	_ =	shalt  }
0x61: {  	_ =	shalt  }
0x62: {  	_ =	shalt  }
0x63: {  	_ =	shalt  }
0x64: {  	_ =	shalt  }
0x65: {  	_ =	shalt  }
0x66: {  	_ =	shalt  }
0x67: {  	_ =	shalt  }
0x68: {  	_ =	shalt  }
0x69: {  	_ =	shalt  }
0x6a: {  	_ =	shalt  }
0x6b: {  	_ =	shalt  }
0x6c: {  	_ =	shalt  }
0x6d: {  	_ =	shalt  }
0x6e: {  	_ =	shalt  }
0x6f: {  	_ =	shalt  }
0x70: {  	_ =	shalt  }
0x71: {  	_ =	shalt  }
0x72: {  	_ =	shalt  }
0x73: {  	_ =	shalt  }
0x74: {  	_ =	shalt  }
0x75: {  	_ =	shalt  }
0x76: {  	_ =	shalt  }
0x77: {  	_ =	shalt  }
0x78: {  	_ =	shalt  }
0x79: {  	_ =	shalt  }
0x7a: {  	_ =	shalt  }
0x7b: {  	_ =	shalt  }
0x7c: {  	_ =	shalt  }
0x7d: {  	_ =	shalt  }
0x7e: {  	_ =	shalt  }
0x7f: {  	_ =	shalt  }
0x80: {  	_ =	shalt  }
0x81: {  	_ =	shalt  }
0x82: {  	_ =	shalt  }
0x83: {  	_ =	shalt  }
0x84: {  	_ =	shalt  }
0x85: {  	_ =	shalt  }
0x86: {  	_ =	shalt  }
0x87: {  	_ =	shalt  }
.Lfunc_end0:
.L_simem_size_0:
called_computation.1_lowered:
.L_overlay_start_0:
0x88: {  	s2 =	sld [smem:$0x3FD9]  }
0x89: {  	s3 =	sld [smem:$0x3FFE];
	_ =	sdelay $0x1  }
0x8a: {  	s1 =	srdreg.scid  }
0x8b: {  	s0 =	sand.u32 $0x1, s1  }
0x8c: {  	s16 =	sshll.u32 s0, $0xA;
	s2 =	sadd.s32 s3, s2  }
0x8d: {  	s2 =	sadd.s32 s2, s16  }
0x8e: {  	[smem:$0x3FBF] =	sst s2  }
0x8f: {  	_ = 	snop  }
0x90: {  	(tm) =	ssettm $0x1  }
0x91: {  	s17 =	sld [smem:$0x3FFB];
	_ =	sdelay $0x3  }
0x92: {  	_ =	strace s17  }
0x93: {  	s2 =	sld [smem:$0x3FFC];
	_ =	sdelay $0x3  }
0x94: {  	_ =	strace s2  }
0x95: {  	s2 =	sld [smem:$0x3FFD];
	_ =	sdelay $0x3  }
0x96: {  	_ =	strace s2  }
0x97: {  	_ =	strace $0x8FFFFFFF  }
0x98: {  	s18 =	sld [smem:$0x3FDB];
	_ =	sdelay $0x1  }
0x99: {  	s19 =	simm.s32 $_scs_section_size  }
0x9a: {  	s4 =	simm.s32 $_size__tile_overlayer_lowered;
	s5 =	simm.s32 $_tile_overlayer_lowered  }
0x9b: {  	s22 =	simm.s32 $0x1BFF;
	s21 =	sshll.u32 s5, $0x1;
	s2 =	sadd.s32 s19, s18  }
0x9c: {  	s6 =	simm.s32 $0x0;
	s20 =	sshll.u32 s4, $0x1;
	s4 =	sadd.s32 s21, s2  }
0x9d: {  	[timem:s6], [sflag:s22] =	dma.local [hbm:s4], s20  }
0x9e: {  	_ =	swait.ge [sflag:s22], s20  }
0x9f: {  	s3 =	ssub.s32 $0x0, s20;
	[sflag:s22] =	ssyncset.done $0x0  }
0xa0: {  	[sflag:s22] =	ssyncadd.s32 s3;
	_ =	sdelay $0x1  }
0xa1: {  	s23 =	simm.s32 $0x1B8B  }
0xa2: {  	_ =	swait.ge [sflag:s23], $0x1  }
0xa3: {  	[sflag:s23] =	ssyncset.done $0x0  }
0xa4: {  	s25 =	simm.s32 $0x1B8E;
	s24 =	sld [smem:$0x3FFE];
	[sflag:s23] =	ssyncadd.s32 $0xFFFFFFFF  }
0xa5: {  	s26 =	simm.s32 $execute0_lowered;
	[smem:$0x3FD2] =	sst s25  }
0xa6: {  	s4 =	sshll.u32 s26, $0x1;
	_ =	strace $0x80000049;
	[dreg:$0x1] =	wrdreg $0xFFFFFFFF  }
0xa7: {  	s28 =	simm.s32 $_size_execute0_lowered;
	s2 =	sadd.s32 s2, s4;
	[dreg:$0x0] =	wrdreg $0x0  }
0xa8: {  	s4 =	sshll.u32 s28, $0x1;
	[dreg:$0x2] =	wrdreg s2  }
0xa9: {  	[dreg:$0x3] =	wrdreg s4  }
0xaa: {  	[dreg:$0x4] =	wrdreg $0xC0  }
0xab: {  	_ =	task [dreg:s6], $0x5FFFF  }
0xac: {  	[dreg:$0x1] =	wrdreg $0xFFFFFFFF  }
0xad: {  	[dreg:$0x0] =	wrdreg $0x60  }
0xae: {  	[dreg:$0x2] =	wrdreg s24  }
0xaf: {  	[dreg:$0x3] =	wrdreg $0x41000  }
0xb0: {  	[dreg:$0x4] =	wrdreg $0x9  }
0xb1: {  	_ =	task.clear_ibuf [dreg:s6], $0x5FFFF;
	_ =	strace $0x90000049  }
0xb2: {  	s29 =	simm.s32 $0x9;
	_ =	strace $0x8000004B  }
0xb3: {  	_ =	swait.ge [sflag:s29], $0x1  }
0xb4: {  	[sflag:s29] =	ssyncadd.s32 $0xFFFFFFFF  }
0xb5: {  	_ =	strace $0x9000004B  }
0xb6: {  	_ =	sfence  }
0xb7: {  	s30 =	sld [smem:$0x0];
	_ =	sdelay $0x2  }
0xb8: {  	s31 =	sshll.u32 s1, $0xD;
	s1 =	sshrl.u32 s1, $0x2  }
0xb9: {  	s3 =	sand.u32 $0x4000, s31;
	s1 =	sadd.s32 s1, s30  }
0xba: {  	s0 =	sor.u32 s3, s0;
	s1 =	sshll.u32 s1, $0x11  }
0xbb: {  	s0 =	sor.u32 s1, s0  }
0xbc: {  	s0 =	sadd.s32 $0x8F2B, s0  }
0xbd: {  	[sflag:s0] =	ssyncadd.remote.s32 $0x1  }
0xbe: {  	_ =	sfence.sel $0xFFFF  }
0xbf: {  	[dreg:$0x0] =	wrdreg $0xFFFFFFFF;
	(pc) =	sbr.abs _section_cstart, $3  }
0xc0: {  	[dreg:$0x1] =	wrdreg $0xFFFFFFFF  }
0xc1: {  	_ =	task.clear_ibuf [dreg:s6], $0x2FFFF;
	_ =	strace $0x9FFFFFFF  }
0xc2: {  	(tm) =	ssettm $0x7FFFFFFF  }
0xc3: {  	_ =	shalt  }
tec
execute0_lowered:
.L_overlay_start_1:
0x0: {  	(tag) =	ssettag $0x1  }
0x1: {  	s5 =	rddreg [dreg:$0x0]  }
0x2: {  	s2 =	rddreg [dreg:$0x1]  }
0x3: {  	s0 =	rddreg [dreg:$0x2];
	s1 =	stileid.u32  }
0x4: {  	s4 =	srdreg.scid;
	s3 =	simm.s32 $0x0;
	s12 =	simm.s32 $0x2  }
0x5: {  	s13 =	simm.s32 $0x80;
	s14 =	simm.s32 $0x100;
	s6 =	smul.u32 $0xA00, s1  }
0x6: {  	s15 =	simm.s32 $0x1;
	s16 =	simm.s32 $0x0;
	s7 =	smul.u32 $0x13C00, s1  }
0x7: {  	s8 =	sand.u32 $0x1, s4;
	[smem:$0x7FF] =	sst s3;
	s11 =	smul.u32 $0x4F000, s1  }
0x8: {  	s4 =	sadd.s32 $0x8E000, s5;
	s31 =	sshll.u32 s1, $0x6;
	s9 =	smul.u32 $0x13C000, s8  }
0x9: {  	_ =	strace $0x8000004A;
	s28 =	ssub.s32 $0x2, s8;
	s8 =	smul.u32 $0x500, s8  }
0xa: {  	s10 =	sadd.s32 s6, s5;
	s26 =	sshrl.u32 s7, $0x3;
	s29 =	sshrl.u32 s28, $0x1  }
0xb: {  	s30 =	sshrl.u32 s11, $0x2;
	s7 =	sadd.s32 s7, s9;
	s6 =	sadd.s32 s26, s5  }
0xc: {  	s9 =	ssub.s32 s28, s29;
	s11 =	sadd.s32 s30, s2;
	s10 =	sadd.s32 s8, s10  }
0xd: {  	s7 =	sshrl.u32 s7, $0x3;
	s8 =	smax.u32 s9, $0x1;
	s9 =	sadd.s32 $0x3800, s10  }
0xe: {  	s10 =	sadd.s32 $0xD800, s10;
	s11 =	sshrl.u32 s11, $0x3;
	s7 =	sadd.s32 s7, s5  }
0xf: {  	s5 =	sadd.s32 $0x17800, s6;
	s6 =	sor.u32 $0x1C02, s31;
	s7 =	sadd.s32 $0xB5200, s7  }
.LBB2_1:
0x10: {  	[spmem:s11], [sflag:s6] =	dma.local [hbm:s5], $0x2780  }
0x11: {  	_ =	swait.ge [sflag:s12], $0x2780  }
0x12: {  	[sflag:s12] =	ssyncset.done $0x0  }
0x13: {  	[sflag:s12] =	ssyncadd.s32 $0xFFFFD880  }
0x14: {  	s17 =	sadd.s32 $0x0, s10;
	[bflag:$0x0] =	sbarrier.arrive $0xFFFF  }
0x15: {  	[tilespmem:s3], [sflag:$0x2] =	stream.linear.gather [hbm4b:s17+s3], $0x80, $0x38;
	[tilespmem:$0x17D00] =	vst v63  }
0x16: {  	_ =	swait.ge [sflag:s12], $0x80  }
0x17: {  	[sflag:s12] =	ssyncset.done $0x0  }
0x18: {  	s31 =	sadd.s32 $0x0, s9;
	[sflag:s12] =	ssyncadd.s32 $0xFFFFFF80  }
0x19: {  	[tilespmem:s13], [sflag:$0x2] =	stream.linear.gather [hbm4b:s31+s3], $0x80, $0x38;
	[tilespmem:$0x17D00] =	vst v63  }
0x1a: {  	_ =	swait.ge [sflag:s12], $0x80  }
0x1b: {  	[sflag:s12] =	ssyncset.done $0x0  }
0x1c: {  	[sflag:s12] =	ssyncadd.s32 $0xFFFFFF80  }
0x1d: {  	[tilespmem:s14], [sflag:$0x1] =	stream.indirect.gather [hbm4b:s4+s13], $0x80, s3, s13, $0xb8;
	[tilespmem:$0x17D00] =	vst v63  }
0x1e: {  	_ =	swait.ge [sflag:s15], $0x4000  }
0x1f: {  	[sflag:s15] =	ssyncset.done $0x0  }
0x20: {  	[sflag:s15] =	ssyncadd.s32 $0xFFFFC000  }
0x21: {  	[spmem:s2] =	stream.indirect.scatter.add.f32 [tilespmem:s14], [sflag:$0x2], $0x80, s13, s13, $0xb8;
	[tilespmem:$0x17D00] =	vst v63  }
0x22: {  	_ =	swait.ge [sflag:s12], $0x4000  }
0x23: {  	s18 =	simm.s32 $0x20;
	s17 =	simm.s32 $0x10;
	[sflag:s12] =	ssyncset.done $0x0  }
.LBB2_2:
0x24: {  	s19 =	sadd.s32 s17, s10  }
0x25: {  	[sflag:s12] =	ssyncadd.s32 $0xFFFFC000;
	s20 =	smov.u32 s18;
	s21 =	sadd.s32 $0x10, s18  }
0x26: {  	[tilespmem:s3], [sflag:$0x2] =	stream.linear.gather [hbm4b:s19+s3], $0x80, $0x38;
	[tilespmem:$0x17D00] =	vst v63  }
0x27: {  	p0 =	sne.s32 s18, $0x4F0;
	_ =	swait.ge [sflag:s12], $0x80  }
0x28: {  	[sflag:s12] =	ssyncset.done $0x0  }
0x29: {  	s18 =	sadd.s32 s17, s9;
	s17 =	smov.u32 s20;
	[sflag:s12] =	ssyncadd.s32 $0xFFFFFF80  }
0x2a: {  	[tilespmem:s13], [sflag:$0x2] =	stream.linear.gather [hbm4b:s18+s3], $0x80, $0x38;
	[tilespmem:$0x17D00] =	vst v63  }
0x2b: {  	_ =	swait.ge [sflag:s12], $0x80  }
0x2c: {  	[sflag:s12] =	ssyncset.done $0x0  }
0x2d: {  	[sflag:s12] =	ssyncadd.s32 $0xFFFFFF80  }
0x2e: {  	[tilespmem:s14], [sflag:$0x1] =	stream.indirect.gather [hbm4b:s4+s13], $0x80, s3, s13, $0xb8;
	[tilespmem:$0x17D00] =	vst v63  }
0x2f: {  	_ =	swait.ge [sflag:s15], $0x4000  }
.Ltmp0:
0x30: {  	[sflag:s15] =	ssyncset.done $0x0;
	(pc) =	sbr.rel @p0 .LBB2_2-.Ltmp0, $4  }
0x31: {  	[sflag:s15] =	ssyncadd.s32 $0xFFFFC000  }
0x32: {  	[spmem:s2] =	stream.indirect.scatter.add.f32 [tilespmem:s14], [sflag:$0x2], $0x80, s13, s13, $0xb8;
	[tilespmem:$0x17D00] =	vst v63  }
0x33: {  	_ =	swait.ge [sflag:s12], $0x4000  }
0x34: {  	s18 =	smov.u32 s21;
	[sflag:s12] =	ssyncset.done $0x0  }
0x35: {  	s18 =	sadd.s32 s17, s10;
	[sflag:s12] =	ssyncadd.s32 $0xFFFFC000  }
0x36: {  	[tilespmem:s3], [sflag:$0x2] =	stream.linear.gather [hbm4b:s18+s3], $0x80, $0x38;
	[tilespmem:$0x17D00] =	vst v63  }
0x37: {  	_ =	swait.ge [sflag:s12], $0x80  }
0x38: {  	[sflag:s12] =	ssyncset.done $0x0  }
0x39: {  	s31 =	sadd.s32 s17, s9;
	[sflag:s12] =	ssyncadd.s32 $0xFFFFFF80  }
0x3a: {  	[tilespmem:s13], [sflag:$0x2] =	stream.linear.gather [hbm4b:s31+s3], $0x80, $0x38;
	[tilespmem:$0x17D00] =	vst v63  }
0x3b: {  	_ =	swait.ge [sflag:s12], $0x80  }
0x3c: {  	[sflag:s12] =	ssyncset.done $0x0  }
0x3d: {  	[sflag:s12] =	ssyncadd.s32 $0xFFFFFF80  }
0x3e: {  	[tilespmem:s14], [sflag:$0x1] =	stream.indirect.gather [hbm4b:s4+s13], $0x80, s3, s13, $0xb8;
	[tilespmem:$0x17D00] =	vst v63  }
0x3f: {  	_ =	swait.ge [sflag:s15], $0x4000  }
0x40: {  	[sflag:s15] =	ssyncset.done $0x0  }
0x41: {  	[sflag:s15] =	ssyncadd.s32 $0xFFFFC000  }
0x42: {  	[spmem:s2] =	stream.indirect.scatter.add.f32 [tilespmem:s14], [sflag:$0x2], $0x80, s13, s13, $0xb8;
	[tilespmem:$0x17D00] =	vst v63  }
0x43: {  	_ =	swait.ge [sflag:s12], $0x4000  }
0x44: {  	s16 =	sadd.s32 $0x1, s16;
	[sflag:s12] =	ssyncset.done $0x0  }
0x45: {  	p0 =	sne.s32 s16, s8;
	[sflag:s12] =	ssyncadd.s32 $0xFFFFC000  }
.Ltmp1:
0x46: {  	[bflag:$0x0] =	sbarrier.arrive $0xFFFF;
	(pc) =	sbr.rel @p0 .LBB2_1-.Ltmp1, $4  }
0x47: {  	[hbm:s7], [sflag:s6] =	dma.local [spmem:s11], $0x2780  }
0x48: {  	_ =	swait.ge [sflag:s12], $0x2780  }
0x49: {  	[sflag:s12] =	ssyncset.done $0x0  }
0x4a: {  	[sflag:s12] =	ssyncadd.s32 $0xFFFFD880  }
0x4b: {  	_ =	sfence.sel $0x180000  }
0x4c: {  	[bflag:$0x0] =	sbarrier.arrive $0xFFFF  }
0x4d: {  	p0 =	sne.s32 s1, $0x0;
	_ =	strace $0x9000004A  }
0x4e: {  	s0 =	sadd.s32 @!p0 $0x100000, s0;
	[bflag:$0x2] =	sbarrier.arrive $0xFFFF  }
0x4f: {  	[sflag:s0] =	ssyncadd.tile.s32 @!p0 $0x1;
	_ =	shalt  }
.Lfunc_end2:
_tile_overlayer_lowered:
.L_overlay_start_2:
0x50: {  	(tag) =	ssettag $0x2  }
0x51: {  	s0 =	rddreg [dreg:$0x0];
	s2 =	stileid.u32  }
0x52: {  	s1 =	rddreg [dreg:$0x1];
	p0 =	sne.s32 s2, $0x0  }
0x53: {  	s3 =	rddreg [dreg:$0x2];
	[bflag:$0x3] =	sbarrier.arrive $0xFFFF;
	s2 =	simm.s32 @!p0 $0x1C02  }
0x54: {  	[timem:s3], [sflag:s2] =	dma.local @!p0 [hbm:s0], s1  }
0x55: {  	s0 =	simm.s32 @!p0 $0x2  }
0x56: {  	_ =	swait.ge @!p0 [sflag:s0], s1  }
0x57: {  	s1 =	ssub.s32 @!p0 $0x0, s1;
	[sflag:s0] =	ssyncset.done @!p0 $0x0  }
0x58: {  	[sflag:s0] =	ssyncadd.s32 @!p0 s1  }
0x59: {  	[bflag:$0x3] =	sbarrier.arrive $0xFFFF  }
0x5a: {  	_ =	shalt  }

// kernel: kernel.14.cloned.1.call-start
scs
__scs_entry_jumppad:
0x0: {  	(pc) =	sbr.rel $0x88, $3  }
0x1: {  	(tag) =	ssettag $0x0;
	lr =	simm.s32 $0x1  }
0x2: {  	[smem:$0x3F98] =	sst lr;
	_ =	strace $0xD0000000  }
0x3: {  	_ = 	snop  }
0x4: {  	_ = 	snop  }
0x5: {  	_ = 	snop  }
0x6: {  	_ = 	snop  }
0x7: {  	_ = 	snop  }
__scs_overlays_trampoline_lowered:
0x8: {  	[smem:$0x3FA7] =	sst s0  }
0x9: {  	[smem:$0x3FA8] =	sst s1  }
0xa: {  	[smem:$0x3FA9] =	sst s2  }
0xb: {  	[smem:$0x3FAA] =	sst s3  }
0xc: {  	[smem:$0x3FAB] =	sst s4  }
0xd: {  	[smem:$0x3FAC] =	sst s5  }
0xe: {  	[smem:$0x3FAD] =	sst s6  }
0xf: {  	[smem:$0x3FAE] =	sst s7  }
0x10: {  	[smem:$0x3FAF] =	sst s8  }
0x11: {  	[smem:$0x3FB0] =	sst s9;
	s0 =	simm.s32 @!p0 $0x0  }
0x12: {  	s1 =	sld [smem:$0x3F96];
	s0 =	simm.s32 @p0 $0x1  }
0x13: {  	[smem:$0x3FB1] =	sst s0;
	s0 =	simm.s32 @!p1 $0x0  }
0x14: {  	s2 =	sld [smem:$0x3F95];
	s0 =	simm.s32 @p1 $0x1  }
0x15: {  	[smem:$0x3FB2] =	sst s0;
	s0 =	simm.s32 @!p2 $0x0  }
0x16: {  	s3 =	sld [smem:$0x3FDB];
	s0 =	simm.s32 @p2 $0x1  }
0x17: {  	s4 =	simm.s32 $0x1BF5;
	[smem:$0x3FB4] =	sst s0  }
0x18: {  	s0 =	sld [smem:$0x3F97];
	_ =	swait.ge [sflag:s4], $0x0  }
0x19: {  	s7 =	sld [smem:$0x3F98]  }
0x1a: {  	s8 =	sadd.s32 $0xFFFFE003, lr  }
0x1b: {  	s9 =	sadd.s32 $0xFFFFFEF7, lr;
	s5 =	simm.s32 $0xFFFFFFFF;
	p2 =	slt.u32 s8, $0xFFFFF086  }
0x1c: {  	p1 =	slt.u32 s9, $0xF7A;
	s5 =	simm.s32 @!p2 $0x0  }
0x1d: {  	s5 =	simm.s32 @p1 $0x1;
	p0 =	seq.s32 s7, s2  }
0x1e: {  	s7 =	smul.u32 @!p0 $0xF7A, s2;
	p2 =	seq.s32 @!p0 s5, $0x0  }
0x1f: {  	s9 =	smul.u32 $0xF7A, s1;
	s8 =	simm.s32 @!p0 $0x1BF5;
	p2 =	por !p2, p0  }
0x20: {  	[sflag:s8] =	ssyncset.s32 @!p0 $0xFFFFF086;
	s6 =	sadd.s32 @!p0 s3, s7;
	s7 =	simm.s32 @!p0 $0x108  }
0x21: {  	s3 =	sadd.s32 s3, s9;
	s6 =	sadd.s32 @!p0 $0x88, s6;
	s7 =	simm.s32 @p2 $0x1082  }
0x22: {  	[simem:s7], [sflag:s8] =	dma.local @!p0 [hbm:s6], $0xF7A  }
0x23: {  	s9 =	sor.u32 $0xD0000000, s2;
	s6 =	simm.s32 $0x108;
	_ =	swait.ge @!p0 [sflag:s8], $0x0  }
0x24: {  	s3 =	sadd.s32 $0x88, s3;
	s6 =	simm.s32 @!p1 $0x1082;
	[sflag:s4] =	ssyncset.s32 $0xFFFFF086  }
0x25: {  	[simem:s6], [sflag:s4] =	dma.local [hbm:s3], $0xF7A  }
0x26: {  	[smem:$0x3F98] =	sst s1;
	(tag) =	ssettag s2;
	_ =	strace s9  }
0x27: {  	s1 =	sld [smem:$0x3FA8]  }
0x28: {  	s2 =	sld [smem:$0x3FA9]  }
0x29: {  	s4 =	sld [smem:$0x3FAB]  }
0x2a: {  	p0 =	seq.s32 s5, $0x0;
	s5 =	sld [smem:$0x3FAC]  }
0x2b: {  	s6 =	sld [smem:$0x3FAD]  }
0x2c: {  	s7 =	sld [smem:$0x3FAE]  }
0x2d: {  	s3 =	simm.s32 $0x108;
	s8 =	sld [smem:$0x3FAF]  }
0x2e: {  	s3 =	simm.s32 @!p0 $0x1082;
	s9 =	sld [smem:$0x3FB0]  }
0x2f: {  	lr =	sadd.s32 s0, s3;
	s0 =	sld [smem:$0x3FA7]  }
0x30: {  	s3 =	sld [smem:$0x3FAA]  }
0x31: {  	[smem:$0x3FB3] =	sst s10  }
0x32: {  	s10 =	sld [smem:$0x3FB1];
	_ =	sdelay $0x3  }
0x33: {  	p0 =	seq.s32 s10, $0x1;
	s10 =	sld [smem:$0x3FB3];
	_ =	sdelay $0x3  }
0x34: {  	[smem:$0x3FB3] =	sst s10  }
0x35: {  	s10 =	sld [smem:$0x3FB2];
	_ =	sdelay $0x3  }
0x36: {  	p1 =	seq.s32 s10, $0x1;
	s10 =	sld [smem:$0x3FB3];
	_ =	sdelay $0x3  }
0x37: {  	[smem:$0x3FB3] =	sst s10  }
0x38: {  	s10 =	sld [smem:$0x3FB4]  }
0x39: {  	_ = 	snop;
	(pc) =	sbr.ind lr, $3  }
0x3a: {  	_ = 	snop  }
0x3b: {  	_ = 	snop  }
0x3c: {  	p2 =	seq.s32 s10, $0x1;
	s10 =	sld [smem:$0x3FB3]  }
0x3d: {  	_ =	shalt  }
0x3e: {  	_ =	shalt  }
0x3f: {  	_ =	shalt  }
0x40: {  	_ =	shalt  }
0x41: {  	_ =	shalt  }
0x42: {  	_ =	shalt  }
0x43: {  	_ =	shalt  }
0x44: {  	_ =	shalt  }
0x45: {  	_ =	shalt  }
0x46: {  	_ =	shalt  }
0x47: {  	_ =	shalt  }
0x48: {  	_ =	shalt  }
0x49: {  	_ =	shalt  }
0x4a: {  	_ =	shalt  }
0x4b: {  	_ =	shalt  }
0x4c: {  	_ =	shalt  }
0x4d: {  	_ =	shalt  }
0x4e: {  	_ =	shalt  }
0x4f: {  	_ =	shalt  }
0x50: {  	_ =	shalt  }
0x51: {  	_ =	shalt  }
0x52: {  	_ =	shalt  }
0x53: {  	_ =	shalt  }
0x54: {  	_ =	shalt  }
0x55: {  	_ =	shalt  }
0x56: {  	_ =	shalt  }
0x57: {  	_ =	shalt  }
0x58: {  	_ =	shalt  }
0x59: {  	_ =	shalt  }
0x5a: {  	_ =	shalt  }
0x5b: {  	_ =	shalt  }
0x5c: {  	_ =	shalt  }
0x5d: {  	_ =	shalt  }
0x5e: {  	_ =	shalt  }
0x5f: {  	_ =	shalt  }
0x60: {  	_ =	shalt  }
0x61: {  	_ =	shalt  }
0x62: {  	_ =	shalt  }
0x63: {  	_ =	shalt  }
0x64: {  	_ =	shalt  }
0x65: {  	_ =	shalt  }
0x66: {  	_ =	shalt  }
0x67: {  	_ =	shalt  }
0x68: {  	_ =	shalt  }
0x69: {  	_ =	shalt  }
0x6a: {  	_ =	shalt  }
0x6b: {  	_ =	shalt  }
0x6c: {  	_ =	shalt  }
0x6d: {  	_ =	shalt  }
0x6e: {  	_ =	shalt  }
0x6f: {  	_ =	shalt  }
0x70: {  	_ =	shalt  }
0x71: {  	_ =	shalt  }
0x72: {  	_ =	shalt  }
0x73: {  	_ =	shalt  }
0x74: {  	_ =	shalt  }
0x75: {  	_ =	shalt  }
0x76: {  	_ =	shalt  }
0x77: {  	_ =	shalt  }
0x78: {  	_ =	shalt  }
0x79: {  	_ =	shalt  }
0x7a: {  	_ =	shalt  }
0x7b: {  	_ =	shalt  }
0x7c: {  	_ =	shalt  }
0x7d: {  	_ =	shalt  }
0x7e: {  	_ =	shalt  }
0x7f: {  	_ =	shalt  }
0x80: {  	_ =	shalt  }
0x81: {  	_ =	shalt  }
0x82: {  	_ =	shalt  }
0x83: {  	_ =	shalt  }
0x84: {  	_ =	shalt  }
0x85: {  	_ =	shalt  }
0x86: {  	_ =	shalt  }
0x87: {  	_ =	shalt  }
.Lfunc_end0:
.L_simem_size_0:
called_computation.2_lowered:
.L_overlay_start_0:
0x88: {  	s2 =	sld [smem:$0x3FD9]  }
0x89: {  	s3 =	sld [smem:$0x3FFE];
	_ =	sdelay $0x1  }
0x8a: {  	s1 =	srdreg.scid  }
0x8b: {  	s0 =	sand.u32 $0x1, s1  }
0x8c: {  	s16 =	sshll.u32 s0, $0xA;
	s2 =	sadd.s32 s3, s2  }
0x8d: {  	s2 =	sadd.s32 s2, s16  }
0x8e: {  	[smem:$0x3FBF] =	sst s2  }
0x8f: {  	_ = 	snop  }
0x90: {  	(tm) =	ssettm $0x1  }
0x91: {  	s17 =	sld [smem:$0x3FFB];
	_ =	sdelay $0x3  }
0x92: {  	_ =	strace s17  }
0x93: {  	s2 =	sld [smem:$0x3FFC];
	_ =	sdelay $0x3  }
0x94: {  	_ =	strace s2  }
0x95: {  	s2 =	sld [smem:$0x3FFD];
	_ =	sdelay $0x3  }
0x96: {  	_ =	strace s2  }
0x97: {  	_ =	strace $0x8FFFFFFF  }
0x98: {  	s18 =	sld [smem:$0x3FDB];
	_ =	sdelay $0x1  }
0x99: {  	s19 =	simm.s32 $_scs_section_size  }
0x9a: {  	s4 =	simm.s32 $_size__tile_overlayer_lowered;
	s5 =	simm.s32 $_tile_overlayer_lowered  }
0x9b: {  	s22 =	simm.s32 $0x1BFF;
	s21 =	sshll.u32 s5, $0x1;
	s2 =	sadd.s32 s19, s18  }
0x9c: {  	s6 =	simm.s32 $0x0;
	s20 =	sshll.u32 s4, $0x1;
	s4 =	sadd.s32 s21, s2  }
0x9d: {  	[timem:s6], [sflag:s22] =	dma.local [hbm:s4], s20  }
0x9e: {  	_ =	swait.ge [sflag:s22], s20  }
0x9f: {  	s3 =	ssub.s32 $0x0, s20;
	[sflag:s22] =	ssyncset.done $0x0  }
0xa0: {  	[sflag:s22] =	ssyncadd.s32 s3;
	_ =	sdelay $0x1  }
0xa1: {  	s23 =	simm.s32 $0x1B8B  }
0xa2: {  	_ =	swait.ge [sflag:s23], $0x1  }
0xa3: {  	[sflag:s23] =	ssyncset.done $0x0  }
0xa4: {  	s25 =	simm.s32 $0x1B8E;
	s24 =	sld [smem:$0x3FFE];
	[sflag:s23] =	ssyncadd.s32 $0xFFFFFFFF  }
0xa5: {  	s26 =	simm.s32 $execute0_lowered;
	[smem:$0x3FD2] =	sst s25  }
0xa6: {  	s4 =	sshll.u32 s26, $0x1;
	_ =	strace $0x8000004C;
	[dreg:$0x1] =	wrdreg $0xFFFFFFFF  }
0xa7: {  	s28 =	simm.s32 $_size_execute0_lowered;
	s2 =	sadd.s32 s2, s4;
	[dreg:$0x0] =	wrdreg $0x0  }
0xa8: {  	s4 =	sshll.u32 s28, $0x1;
	[dreg:$0x2] =	wrdreg s2  }
0xa9: {  	[dreg:$0x3] =	wrdreg s4  }
0xaa: {  	[dreg:$0x4] =	wrdreg $0xC0  }
0xab: {  	_ =	task [dreg:s6], $0x5FFFF  }
0xac: {  	[dreg:$0x1] =	wrdreg $0xFFFFFFFF  }
0xad: {  	[dreg:$0x0] =	wrdreg $0x60  }
0xae: {  	[dreg:$0x2] =	wrdreg s24  }
0xaf: {  	[dreg:$0x3] =	wrdreg $0x41000  }
0xb0: {  	[dreg:$0x4] =	wrdreg $0x9  }
0xb1: {  	_ =	task.clear_ibuf [dreg:s6], $0x5FFFF;
	_ =	strace $0x9000004C  }
0xb2: {  	s29 =	simm.s32 $0x9;
	_ =	strace $0x8000004E  }
0xb3: {  	_ =	swait.ge [sflag:s29], $0x1  }
0xb4: {  	[sflag:s29] =	ssyncadd.s32 $0xFFFFFFFF  }
0xb5: {  	_ =	strace $0x9000004E  }
0xb6: {  	_ =	sfence  }
0xb7: {  	s30 =	sld [smem:$0x0];
	_ =	sdelay $0x2  }
0xb8: {  	s31 =	sshll.u32 s1, $0xD;
	s1 =	sshrl.u32 s1, $0x2  }
0xb9: {  	s3 =	sand.u32 $0x4000, s31;
	s1 =	sadd.s32 s1, s30  }
0xba: {  	s0 =	sor.u32 s3, s0;
	s1 =	sshll.u32 s1, $0x11  }
0xbb: {  	s0 =	sor.u32 s1, s0  }
0xbc: {  	s0 =	sadd.s32 $0x8F2B, s0  }
0xbd: {  	[sflag:s0] =	ssyncadd.remote.s32 $0x1  }
0xbe: {  	_ =	sfence.sel $0xFFFF  }
0xbf: {  	[dreg:$0x0] =	wrdreg $0xFFFFFFFF;
	(pc) =	sbr.abs _section_cstart, $3  }
0xc0: {  	[dreg:$0x1] =	wrdreg $0xFFFFFFFF  }
0xc1: {  	_ =	task.clear_ibuf [dreg:s6], $0x2FFFF;
	_ =	strace $0x9FFFFFFF  }
0xc2: {  	(tm) =	ssettm $0x7FFFFFFF  }
0xc3: {  	_ =	shalt  }
tec
execute0_lowered:
.L_overlay_start_1:
0x0: {  	(tag) =	ssettag $0x1  }
0x1: {  	s5 =	rddreg [dreg:$0x0]  }
0x2: {  	s2 =	rddreg [dreg:$0x1]  }
0x3: {  	s0 =	rddreg [dreg:$0x2];
	s1 =	stileid.u32  }
0x4: {  	s4 =	srdreg.scid;
	s3 =	simm.s32 $0x0;
	s12 =	simm.s32 $0x2  }
0x5: {  	s13 =	simm.s32 $0x80;
	s14 =	simm.s32 $0x100;
	s6 =	smul.u32 $0xA00, s1  }
0x6: {  	s15 =	simm.s32 $0x1;
	s16 =	simm.s32 $0x0;
	s7 =	smul.u32 $0x13C00, s1  }
0x7: {  	s8 =	sand.u32 $0x1, s4;
	[smem:$0x7FF] =	sst s3;
	s11 =	smul.u32 $0x4F000, s1  }
0x8: {  	s4 =	sadd.s32 $0x8E000, s5;
	s31 =	sshll.u32 s1, $0x6;
	s9 =	smul.u32 $0x13C000, s8  }
0x9: {  	_ =	strace $0x8000004D;
	s28 =	ssub.s32 $0x2, s8;
	s8 =	smul.u32 $0x500, s8  }
0xa: {  	s10 =	sadd.s32 s6, s5;
	s26 =	sshrl.u32 s7, $0x3;
	s29 =	sshrl.u32 s28, $0x1  }
0xb: {  	s30 =	sshrl.u32 s11, $0x2;
	s7 =	sadd.s32 s7, s9;
	s6 =	sadd.s32 s26, s5  }
0xc: {  	s9 =	ssub.s32 s28, s29;
	s11 =	sadd.s32 s30, s2;
	s10 =	sadd.s32 s8, s10  }
0xd: {  	s7 =	sshrl.u32 s7, $0x3;
	s8 =	smax.u32 s9, $0x1;
	s9 =	sadd.s32 $0x3800, s10  }
0xe: {  	s10 =	sadd.s32 $0xD800, s10;
	s11 =	sshrl.u32 s11, $0x3;
	s7 =	sadd.s32 s7, s5  }
0xf: {  	s5 =	sadd.s32 $0x17800, s6;
	s6 =	sor.u32 $0x1C02, s31;
	s7 =	sadd.s32 $0xB5200, s7  }
.LBB2_1:
0x10: {  	[spmem:s11], [sflag:s6] =	dma.local [hbm:s5], $0x2780  }
0x11: {  	_ =	swait.ge [sflag:s12], $0x2780  }
0x12: {  	[sflag:s12] =	ssyncset.done $0x0  }
0x13: {  	[sflag:s12] =	ssyncadd.s32 $0xFFFFD880  }
0x14: {  	s17 =	sadd.s32 $0x0, s10;
	[bflag:$0x0] =	sbarrier.arrive $0xFFFF  }
0x15: {  	[tilespmem:s3], [sflag:$0x2] =	stream.linear.gather [hbm4b:s17+s3], $0x80, $0x38;
	[tilespmem:$0x17D00] =	vst v63  }
0x16: {  	_ =	swait.ge [sflag:s12], $0x80  }
0x17: {  	[sflag:s12] =	ssyncset.done $0x0  }
0x18: {  	s31 =	sadd.s32 $0x0, s9;
	[sflag:s12] =	ssyncadd.s32 $0xFFFFFF80  }
0x19: {  	[tilespmem:s13], [sflag:$0x2] =	stream.linear.gather [hbm4b:s31+s3], $0x80, $0x38;
	[tilespmem:$0x17D00] =	vst v63  }
0x1a: {  	_ =	swait.ge [sflag:s12], $0x80  }
0x1b: {  	[sflag:s12] =	ssyncset.done $0x0  }
0x1c: {  	[sflag:s12] =	ssyncadd.s32 $0xFFFFFF80  }
0x1d: {  	[tilespmem:s14], [sflag:$0x1] =	stream.indirect.gather [hbm4b:s4+s13], $0x80, s3, s13, $0xb8;
	[tilespmem:$0x17D00] =	vst v63  }
0x1e: {  	_ =	swait.ge [sflag:s15], $0x4000  }
0x1f: {  	[sflag:s15] =	ssyncset.done $0x0  }
0x20: {  	[sflag:s15] =	ssyncadd.s32 $0xFFFFC000  }
0x21: {  	[spmem:s2] =	stream.indirect.scatter.add.f32 [tilespmem:s14], [sflag:$0x2], $0x80, s13, s13, $0xb8;
	[tilespmem:$0x17D00] =	vst v63  }
0x22: {  	_ =	swait.ge [sflag:s12], $0x4000  }
0x23: {  	s18 =	simm.s32 $0x20;
	s17 =	simm.s32 $0x10;
	[sflag:s12] =	ssyncset.done $0x0  }
.LBB2_2:
0x24: {  	s19 =	sadd.s32 s17, s10  }
0x25: {  	[sflag:s12] =	ssyncadd.s32 $0xFFFFC000;
	s20 =	smov.u32 s18;
	s21 =	sadd.s32 $0x10, s18  }
0x26: {  	[tilespmem:s3], [sflag:$0x2] =	stream.linear.gather [hbm4b:s19+s3], $0x80, $0x38;
	[tilespmem:$0x17D00] =	vst v63  }
0x27: {  	p0 =	sne.s32 s18, $0x4F0;
	_ =	swait.ge [sflag:s12], $0x80  }
0x28: {  	[sflag:s12] =	ssyncset.done $0x0  }
0x29: {  	s18 =	sadd.s32 s17, s9;
	s17 =	smov.u32 s20;
	[sflag:s12] =	ssyncadd.s32 $0xFFFFFF80  }
0x2a: {  	[tilespmem:s13], [sflag:$0x2] =	stream.linear.gather [hbm4b:s18+s3], $0x80, $0x38;
	[tilespmem:$0x17D00] =	vst v63  }
0x2b: {  	_ =	swait.ge [sflag:s12], $0x80  }
0x2c: {  	[sflag:s12] =	ssyncset.done $0x0  }
0x2d: {  	[sflag:s12] =	ssyncadd.s32 $0xFFFFFF80  }
0x2e: {  	[tilespmem:s14], [sflag:$0x1] =	stream.indirect.gather [hbm4b:s4+s13], $0x80, s3, s13, $0xb8;
	[tilespmem:$0x17D00] =	vst v63  }
0x2f: {  	_ =	swait.ge [sflag:s15], $0x4000  }
.Ltmp0:
0x30: {  	[sflag:s15] =	ssyncset.done $0x0;
	(pc) =	sbr.rel @p0 .LBB2_2-.Ltmp0, $4  }
0x31: {  	[sflag:s15] =	ssyncadd.s32 $0xFFFFC000  }
0x32: {  	[spmem:s2] =	stream.indirect.scatter.add.f32 [tilespmem:s14], [sflag:$0x2], $0x80, s13, s13, $0xb8;
	[tilespmem:$0x17D00] =	vst v63  }
0x33: {  	_ =	swait.ge [sflag:s12], $0x4000  }
0x34: {  	s18 =	smov.u32 s21;
	[sflag:s12] =	ssyncset.done $0x0  }
0x35: {  	s18 =	sadd.s32 s17, s10;
	[sflag:s12] =	ssyncadd.s32 $0xFFFFC000  }
0x36: {  	[tilespmem:s3], [sflag:$0x2] =	stream.linear.gather [hbm4b:s18+s3], $0x80, $0x38;
	[tilespmem:$0x17D00] =	vst v63  }
0x37: {  	_ =	swait.ge [sflag:s12], $0x80  }
0x38: {  	[sflag:s12] =	ssyncset.done $0x0  }
0x39: {  	s31 =	sadd.s32 s17, s9;
	[sflag:s12] =	ssyncadd.s32 $0xFFFFFF80  }
0x3a: {  	[tilespmem:s13], [sflag:$0x2] =	stream.linear.gather [hbm4b:s31+s3], $0x80, $0x38;
	[tilespmem:$0x17D00] =	vst v63  }
0x3b: {  	_ =	swait.ge [sflag:s12], $0x80  }
0x3c: {  	[sflag:s12] =	ssyncset.done $0x0  }
0x3d: {  	[sflag:s12] =	ssyncadd.s32 $0xFFFFFF80  }
0x3e: {  	[tilespmem:s14], [sflag:$0x1] =	stream.indirect.gather [hbm4b:s4+s13], $0x80, s3, s13, $0xb8;
	[tilespmem:$0x17D00] =	vst v63  }
0x3f: {  	_ =	swait.ge [sflag:s15], $0x4000  }
0x40: {  	[sflag:s15] =	ssyncset.done $0x0  }
0x41: {  	[sflag:s15] =	ssyncadd.s32 $0xFFFFC000  }
0x42: {  	[spmem:s2] =	stream.indirect.scatter.add.f32 [tilespmem:s14], [sflag:$0x2], $0x80, s13, s13, $0xb8;
	[tilespmem:$0x17D00] =	vst v63  }
0x43: {  	_ =	swait.ge [sflag:s12], $0x4000  }
0x44: {  	s16 =	sadd.s32 $0x1, s16;
	[sflag:s12] =	ssyncset.done $0x0  }
0x45: {  	p0 =	sne.s32 s16, s8;
	[sflag:s12] =	ssyncadd.s32 $0xFFFFC000  }
.Ltmp1:
0x46: {  	[bflag:$0x0] =	sbarrier.arrive $0xFFFF;
	(pc) =	sbr.rel @p0 .LBB2_1-.Ltmp1, $4  }
0x47: {  	[hbm:s7], [sflag:s6] =	dma.local [spmem:s11], $0x2780  }
0x48: {  	_ =	swait.ge [sflag:s12], $0x2780  }
0x49: {  	[sflag:s12] =	ssyncset.done $0x0  }
0x4a: {  	[sflag:s12] =	ssyncadd.s32 $0xFFFFD880  }
0x4b: {  	_ =	sfence.sel $0x180000  }
0x4c: {  	[bflag:$0x0] =	sbarrier.arrive $0xFFFF  }
0x4d: {  	p0 =	sne.s32 s1, $0x0;
	_ =	strace $0x9000004D  }
0x4e: {  	s0 =	sadd.s32 @!p0 $0x100000, s0;
	[bflag:$0x2] =	sbarrier.arrive $0xFFFF  }
0x4f: {  	[sflag:s0] =	ssyncadd.tile.s32 @!p0 $0x1;
	_ =	shalt  }
.Lfunc_end2:
_tile_overlayer_lowered:
.L_overlay_start_2:
0x50: {  	(tag) =	ssettag $0x2  }
0x51: {  	s0 =	rddreg [dreg:$0x0];
	s2 =	stileid.u32  }
0x52: {  	s1 =	rddreg [dreg:$0x1];
	p0 =	sne.s32 s2, $0x0  }
0x53: {  	s3 =	rddreg [dreg:$0x2];
	[bflag:$0x3] =	sbarrier.arrive $0xFFFF;
	s2 =	simm.s32 @!p0 $0x1C02  }
0x54: {  	[timem:s3], [sflag:s2] =	dma.local @!p0 [hbm:s0], s1  }
0x55: {  	s0 =	simm.s32 @!p0 $0x2  }
0x56: {  	_ =	swait.ge @!p0 [sflag:s0], s1  }
0x57: {  	s1 =	ssub.s32 @!p0 $0x0, s1;
	[sflag:s0] =	ssyncset.done @!p0 $0x0  }
0x58: {  	[sflag:s0] =	ssyncadd.s32 @!p0 s1  }
0x59: {  	[bflag:$0x3] =	sbarrier.arrive $0xFFFF  }
0x5a: {  	_ =	shalt  }

// kernel: kernel.8.cloned.1.call-start
scs
__scs_entry_jumppad:
0x0: {  	(pc) =	sbr.rel $0x88, $3  }
0x1: {  	(tag) =	ssettag $0x0;
	lr =	simm.s32 $0x1  }
0x2: {  	[smem:$0x3F98] =	sst lr;
	_ =	strace $0xD0000000  }
0x3: {  	_ = 	snop  }
0x4: {  	_ = 	snop  }
0x5: {  	_ = 	snop  }
0x6: {  	_ = 	snop  }
0x7: {  	_ = 	snop  }
__scs_overlays_trampoline_lowered:
0x8: {  	[smem:$0x3FA7] =	sst s0  }
0x9: {  	[smem:$0x3FA8] =	sst s1  }
0xa: {  	[smem:$0x3FA9] =	sst s2  }
0xb: {  	[smem:$0x3FAA] =	sst s3  }
0xc: {  	[smem:$0x3FAB] =	sst s4  }
0xd: {  	[smem:$0x3FAC] =	sst s5  }
0xe: {  	[smem:$0x3FAD] =	sst s6  }
0xf: {  	[smem:$0x3FAE] =	sst s7  }
0x10: {  	[smem:$0x3FAF] =	sst s8  }
0x11: {  	[smem:$0x3FB0] =	sst s9;
	s0 =	simm.s32 @!p0 $0x0  }
0x12: {  	s1 =	sld [smem:$0x3F96];
	s0 =	simm.s32 @p0 $0x1  }
0x13: {  	[smem:$0x3FB1] =	sst s0;
	s0 =	simm.s32 @!p1 $0x0  }
0x14: {  	s2 =	sld [smem:$0x3F95];
	s0 =	simm.s32 @p1 $0x1  }
0x15: {  	[smem:$0x3FB2] =	sst s0;
	s0 =	simm.s32 @!p2 $0x0  }
0x16: {  	s3 =	sld [smem:$0x3FDB];
	s0 =	simm.s32 @p2 $0x1  }
0x17: {  	s4 =	simm.s32 $0x1BF5;
	[smem:$0x3FB4] =	sst s0  }
0x18: {  	s0 =	sld [smem:$0x3F97];
	_ =	swait.ge [sflag:s4], $0x0  }
0x19: {  	s7 =	sld [smem:$0x3F98]  }
0x1a: {  	s8 =	sadd.s32 $0xFFFFE003, lr  }
0x1b: {  	s9 =	sadd.s32 $0xFFFFFEF7, lr;
	s5 =	simm.s32 $0xFFFFFFFF;
	p2 =	slt.u32 s8, $0xFFFFF086  }
0x1c: {  	p1 =	slt.u32 s9, $0xF7A;
	s5 =	simm.s32 @!p2 $0x0  }
0x1d: {  	s5 =	simm.s32 @p1 $0x1;
	p0 =	seq.s32 s7, s2  }
0x1e: {  	s7 =	smul.u32 @!p0 $0xF7A, s2;
	p2 =	seq.s32 @!p0 s5, $0x0  }
0x1f: {  	s9 =	smul.u32 $0xF7A, s1;
	s8 =	simm.s32 @!p0 $0x1BF5;
	p2 =	por !p2, p0  }
0x20: {  	[sflag:s8] =	ssyncset.s32 @!p0 $0xFFFFF086;
	s6 =	sadd.s32 @!p0 s3, s7;
	s7 =	simm.s32 @!p0 $0x108  }
0x21: {  	s3 =	sadd.s32 s3, s9;
	s6 =	sadd.s32 @!p0 $0x88, s6;
	s7 =	simm.s32 @p2 $0x1082  }
0x22: {  	[simem:s7], [sflag:s8] =	dma.local @!p0 [hbm:s6], $0xF7A  }
0x23: {  	s9 =	sor.u32 $0xD0000000, s2;
	s6 =	simm.s32 $0x108;
	_ =	swait.ge @!p0 [sflag:s8], $0x0  }
0x24: {  	s3 =	sadd.s32 $0x88, s3;
	s6 =	simm.s32 @!p1 $0x1082;
	[sflag:s4] =	ssyncset.s32 $0xFFFFF086  }
0x25: {  	[simem:s6], [sflag:s4] =	dma.local [hbm:s3], $0xF7A  }
0x26: {  	[smem:$0x3F98] =	sst s1;
	(tag) =	ssettag s2;
	_ =	strace s9  }
0x27: {  	s1 =	sld [smem:$0x3FA8]  }
0x28: {  	s2 =	sld [smem:$0x3FA9]  }
0x29: {  	s4 =	sld [smem:$0x3FAB]  }
0x2a: {  	p0 =	seq.s32 s5, $0x0;
	s5 =	sld [smem:$0x3FAC]  }
0x2b: {  	s6 =	sld [smem:$0x3FAD]  }
0x2c: {  	s7 =	sld [smem:$0x3FAE]  }
0x2d: {  	s3 =	simm.s32 $0x108;
	s8 =	sld [smem:$0x3FAF]  }
0x2e: {  	s3 =	simm.s32 @!p0 $0x1082;
	s9 =	sld [smem:$0x3FB0]  }
0x2f: {  	lr =	sadd.s32 s0, s3;
	s0 =	sld [smem:$0x3FA7]  }
0x30: {  	s3 =	sld [smem:$0x3FAA]  }
0x31: {  	[smem:$0x3FB3] =	sst s10  }
0x32: {  	s10 =	sld [smem:$0x3FB1];
	_ =	sdelay $0x3  }
0x33: {  	p0 =	seq.s32 s10, $0x1;
	s10 =	sld [smem:$0x3FB3];
	_ =	sdelay $0x3  }
0x34: {  	[smem:$0x3FB3] =	sst s10  }
0x35: {  	s10 =	sld [smem:$0x3FB2];
	_ =	sdelay $0x3  }
0x36: {  	p1 =	seq.s32 s10, $0x1;
	s10 =	sld [smem:$0x3FB3];
	_ =	sdelay $0x3  }
0x37: {  	[smem:$0x3FB3] =	sst s10  }
0x38: {  	s10 =	sld [smem:$0x3FB4]  }
0x39: {  	_ = 	snop;
	(pc) =	sbr.ind lr, $3  }
0x3a: {  	_ = 	snop  }
0x3b: {  	_ = 	snop  }
0x3c: {  	p2 =	seq.s32 s10, $0x1;
	s10 =	sld [smem:$0x3FB3]  }
0x3d: {  	_ =	shalt  }
0x3e: {  	_ =	shalt  }
0x3f: {  	_ =	shalt  }
0x40: {  	_ =	shalt  }
0x41: {  	_ =	shalt  }
0x42: {  	_ =	shalt  }
0x43: {  	_ =	shalt  }
0x44: {  	_ =	shalt  }
0x45: {  	_ =	shalt  }
0x46: {  	_ =	shalt  }
0x47: {  	_ =	shalt  }
0x48: {  	_ =	shalt  }
0x49: {  	_ =	shalt  }
0x4a: {  	_ =	shalt  }
0x4b: {  	_ =	shalt  }
0x4c: {  	_ =	shalt  }
0x4d: {  	_ =	shalt  }
0x4e: {  	_ =	shalt  }
0x4f: {  	_ =	shalt  }
0x50: {  	_ =	shalt  }
0x51: {  	_ =	shalt  }
0x52: {  	_ =	shalt  }
0x53: {  	_ =	shalt  }
0x54: {  	_ =	shalt  }
0x55: {  	_ =	shalt  }
0x56: {  	_ =	shalt  }
0x57: {  	_ =	shalt  }
0x58: {  	_ =	shalt  }
0x59: {  	_ =	shalt  }
0x5a: {  	_ =	shalt  }
0x5b: {  	_ =	shalt  }
0x5c: {  	_ =	shalt  }
0x5d: {  	_ =	shalt  }
0x5e: {  	_ =	shalt  }
0x5f: {  	_ =	shalt  }
0x60: {  	_ =	shalt  }
0x61: {  	_ =	shalt  }
0x62: {  	_ =	shalt  }
0x63: {  	_ =	shalt  }
0x64: {  	_ =	shalt  }
0x65: {  	_ =	shalt  }
0x66: {  	_ =	shalt  }
0x67: {  	_ =	shalt  }
0x68: {  	_ =	shalt  }
0x69: {  	_ =	shalt  }
0x6a: {  	_ =	shalt  }
0x6b: {  	_ =	shalt  }
0x6c: {  	_ =	shalt  }
0x6d: {  	_ =	shalt  }
0x6e: {  	_ =	shalt  }
0x6f: {  	_ =	shalt  }
0x70: {  	_ =	shalt  }
0x71: {  	_ =	shalt  }
0x72: {  	_ =	shalt  }
0x73: {  	_ =	shalt  }
0x74: {  	_ =	shalt  }
0x75: {  	_ =	shalt  }
0x76: {  	_ =	shalt  }
0x77: {  	_ =	shalt  }
0x78: {  	_ =	shalt  }
0x79: {  	_ =	shalt  }
0x7a: {  	_ =	shalt  }
0x7b: {  	_ =	shalt  }
0x7c: {  	_ =	shalt  }
0x7d: {  	_ =	shalt  }
0x7e: {  	_ =	shalt  }
0x7f: {  	_ =	shalt  }
0x80: {  	_ =	shalt  }
0x81: {  	_ =	shalt  }
0x82: {  	_ =	shalt  }
0x83: {  	_ =	shalt  }
0x84: {  	_ =	shalt  }
0x85: {  	_ =	shalt  }
0x86: {  	_ =	shalt  }
0x87: {  	_ =	shalt  }
.Lfunc_end0:
.L_simem_size_0:
called_computation_lowered:
.L_overlay_start_0:
0x88: {  	s2 =	sld [smem:$0x3FD9]  }
0x89: {  	s3 =	sld [smem:$0x3FFE];
	_ =	sdelay $0x1  }
0x8a: {  	s1 =	srdreg.scid  }
0x8b: {  	s0 =	sand.u32 $0x1, s1  }
0x8c: {  	s16 =	sshll.u32 s0, $0xA;
	s2 =	sadd.s32 s3, s2  }
0x8d: {  	s2 =	sadd.s32 s2, s16  }
0x8e: {  	[smem:$0x3FBF] =	sst s2  }
0x8f: {  	_ = 	snop  }
0x90: {  	(tm) =	ssettm $0x1  }
0x91: {  	s17 =	sld [smem:$0x3FFB];
	_ =	sdelay $0x3  }
0x92: {  	_ =	strace s17  }
0x93: {  	s2 =	sld [smem:$0x3FFC];
	_ =	sdelay $0x3  }
0x94: {  	_ =	strace s2  }
0x95: {  	s2 =	sld [smem:$0x3FFD];
	_ =	sdelay $0x3  }
0x96: {  	_ =	strace s2  }
0x97: {  	_ =	strace $0x8FFFFFFF  }
0x98: {  	s18 =	sld [smem:$0x3FDB];
	_ =	sdelay $0x1  }
0x99: {  	s19 =	simm.s32 $_scs_section_size  }
0x9a: {  	s4 =	simm.s32 $_size__tile_overlayer_lowered;
	s5 =	simm.s32 $_tile_overlayer_lowered  }
0x9b: {  	s22 =	simm.s32 $0x1BFF;
	s21 =	sshll.u32 s5, $0x1;
	s2 =	sadd.s32 s19, s18  }
0x9c: {  	s6 =	simm.s32 $0x0;
	s20 =	sshll.u32 s4, $0x1;
	s4 =	sadd.s32 s21, s2  }
0x9d: {  	[timem:s6], [sflag:s22] =	dma.local [hbm:s4], s20  }
0x9e: {  	_ =	swait.ge [sflag:s22], s20  }
0x9f: {  	s3 =	ssub.s32 $0x0, s20;
	[sflag:s22] =	ssyncset.done $0x0  }
0xa0: {  	[sflag:s22] =	ssyncadd.s32 s3;
	_ =	sdelay $0x1  }
0xa1: {  	s23 =	simm.s32 $0x1B8B  }
0xa2: {  	_ =	swait.ge [sflag:s23], $0x1  }
0xa3: {  	[sflag:s23] =	ssyncset.done $0x0  }
0xa4: {  	s25 =	simm.s32 $0x1B8E;
	s24 =	sld [smem:$0x3FFE];
	[sflag:s23] =	ssyncadd.s32 $0xFFFFFFFF  }
0xa5: {  	s26 =	simm.s32 $execute0_lowered;
	[smem:$0x3FD2] =	sst s25  }
0xa6: {  	s4 =	sshll.u32 s26, $0x1;
	_ =	strace $0x80000046;
	[dreg:$0x1] =	wrdreg $0xFFFFFFFF  }
0xa7: {  	s28 =	simm.s32 $_size_execute0_lowered;
	s2 =	sadd.s32 s2, s4;
	[dreg:$0x0] =	wrdreg $0x0  }
0xa8: {  	s4 =	sshll.u32 s28, $0x1;
	[dreg:$0x2] =	wrdreg s2  }
0xa9: {  	[dreg:$0x3] =	wrdreg s4  }
0xaa: {  	[dreg:$0x4] =	wrdreg $0xC0  }
0xab: {  	_ =	task [dreg:s6], $0x5FFFF  }
0xac: {  	[dreg:$0x1] =	wrdreg $0xFFFFFFFF  }
0xad: {  	[dreg:$0x0] =	wrdreg $0x60  }
0xae: {  	[dreg:$0x2] =	wrdreg s24  }
0xaf: {  	[dreg:$0x3] =	wrdreg $0x41000  }
0xb0: {  	[dreg:$0x4] =	wrdreg $0x9  }
0xb1: {  	_ =	task.clear_ibuf [dreg:s6], $0x5FFFF;
	_ =	strace $0x90000046  }
0xb2: {  	s29 =	simm.s32 $0x9;
	_ =	strace $0x80000048  }
0xb3: {  	_ =	swait.ge [sflag:s29], $0x1  }
0xb4: {  	[sflag:s29] =	ssyncadd.s32 $0xFFFFFFFF  }
0xb5: {  	_ =	strace $0x90000048  }
0xb6: {  	_ =	sfence  }
0xb7: {  	s30 =	sld [smem:$0x0];
	_ =	sdelay $0x2  }
0xb8: {  	s31 =	sshll.u32 s1, $0xD;
	s1 =	sshrl.u32 s1, $0x2  }
0xb9: {  	s3 =	sand.u32 $0x4000, s31;
	s1 =	sadd.s32 s1, s30  }
0xba: {  	s0 =	sor.u32 s3, s0;
	s1 =	sshll.u32 s1, $0x11  }
0xbb: {  	s0 =	sor.u32 s1, s0  }
0xbc: {  	s0 =	sadd.s32 $0x8F2B, s0  }
0xbd: {  	[sflag:s0] =	ssyncadd.remote.s32 $0x1  }
0xbe: {  	_ =	sfence.sel $0xFFFF  }
0xbf: {  	[dreg:$0x0] =	wrdreg $0xFFFFFFFF;
	(pc) =	sbr.abs _section_cstart, $3  }
0xc0: {  	[dreg:$0x1] =	wrdreg $0xFFFFFFFF  }
0xc1: {  	_ =	task.clear_ibuf [dreg:s6], $0x2FFFF;
	_ =	strace $0x9FFFFFFF  }
0xc2: {  	(tm) =	ssettm $0x7FFFFFFF  }
0xc3: {  	_ =	shalt  }
tec
execute0_lowered:
.L_overlay_start_1:
0x0: {  	(tag) =	ssettag $0x1  }
0x1: {  	s5 =	rddreg [dreg:$0x0]  }
0x2: {  	s2 =	rddreg [dreg:$0x1]  }
0x3: {  	s0 =	rddreg [dreg:$0x2];
	s1 =	stileid.u32  }
0x4: {  	s4 =	srdreg.scid;
	s3 =	simm.s32 $0x0;
	s12 =	simm.s32 $0x2  }
0x5: {  	s13 =	simm.s32 $0x80;
	s14 =	simm.s32 $0x100;
	s6 =	smul.u32 $0xA00, s1  }
0x6: {  	s15 =	simm.s32 $0x1;
	s16 =	simm.s32 $0x0;
	s7 =	smul.u32 $0x13C00, s1  }
0x7: {  	s8 =	sand.u32 $0x1, s4;
	[smem:$0x7FF] =	sst s3;
	s11 =	smul.u32 $0x4F000, s1  }
0x8: {  	s4 =	sadd.s32 $0x3F000, s5;
	s31 =	sshll.u32 s1, $0x6;
	s9 =	smul.u32 $0x13C000, s8  }
0x9: {  	_ =	strace $0x80000047;
	s28 =	ssub.s32 $0x2, s8;
	s8 =	smul.u32 $0x500, s8  }
0xa: {  	s10 =	sadd.s32 s6, s5;
	s26 =	sshrl.u32 s7, $0x3;
	s29 =	sshrl.u32 s28, $0x1  }
0xb: {  	s30 =	sshrl.u32 s11, $0x2;
	s7 =	sadd.s32 s7, s9;
	s6 =	sadd.s32 s26, s5  }
0xc: {  	s9 =	ssub.s32 s28, s29;
	s11 =	sadd.s32 s30, s2;
	s10 =	sadd.s32 s8, s10  }
0xd: {  	s7 =	sshrl.u32 s7, $0x3;
	s8 =	smax.u32 s9, $0x1;
	s9 =	sadd.s32 $0x3800, s10  }
0xe: {  	s10 =	sadd.s32 $0xD800, s10;
	s11 =	sshrl.u32 s11, $0x3;
	s7 =	sadd.s32 s7, s5  }
0xf: {  	s5 =	sadd.s32 $0x17800, s6;
	s6 =	sor.u32 $0x1C02, s31;
	s7 =	sadd.s32 $0x66200, s7  }
.LBB2_1:
0x10: {  	[spmem:s11], [sflag:s6] =	dma.local [hbm:s5], $0x2780  }
0x11: {  	_ =	swait.ge [sflag:s12], $0x2780  }
0x12: {  	[sflag:s12] =	ssyncset.done $0x0  }
0x13: {  	[sflag:s12] =	ssyncadd.s32 $0xFFFFD880  }
0x14: {  	s17 =	sadd.s32 $0x0, s10;
	[bflag:$0x0] =	sbarrier.arrive $0xFFFF  }
0x15: {  	[tilespmem:s3], [sflag:$0x2] =	stream.linear.gather [hbm4b:s17+s3], $0x80, $0x38;
	[tilespmem:$0x17D00] =	vst v63  }
0x16: {  	_ =	swait.ge [sflag:s12], $0x80  }
0x17: {  	[sflag:s12] =	ssyncset.done $0x0  }
0x18: {  	s31 =	sadd.s32 $0x0, s9;
	[sflag:s12] =	ssyncadd.s32 $0xFFFFFF80  }
0x19: {  	[tilespmem:s13], [sflag:$0x2] =	stream.linear.gather [hbm4b:s31+s3], $0x80, $0x38;
	[tilespmem:$0x17D00] =	vst v63  }
0x1a: {  	_ =	swait.ge [sflag:s12], $0x80  }
0x1b: {  	[sflag:s12] =	ssyncset.done $0x0  }
0x1c: {  	[sflag:s12] =	ssyncadd.s32 $0xFFFFFF80  }
0x1d: {  	[tilespmem:s14], [sflag:$0x1] =	stream.indirect.gather [hbm4b:s4+s13], $0x80, s3, s13, $0xb8;
	[tilespmem:$0x17D00] =	vst v63  }
0x1e: {  	_ =	swait.ge [sflag:s15], $0x4000  }
0x1f: {  	[sflag:s15] =	ssyncset.done $0x0  }
0x20: {  	[sflag:s15] =	ssyncadd.s32 $0xFFFFC000  }
0x21: {  	[spmem:s2] =	stream.indirect.scatter.add.f32 [tilespmem:s14], [sflag:$0x2], $0x80, s13, s13, $0xb8;
	[tilespmem:$0x17D00] =	vst v63  }
0x22: {  	_ =	swait.ge [sflag:s12], $0x4000  }
0x23: {  	s18 =	simm.s32 $0x20;
	s17 =	simm.s32 $0x10;
	[sflag:s12] =	ssyncset.done $0x0  }
.LBB2_2:
0x24: {  	s19 =	sadd.s32 s17, s10  }
0x25: {  	[sflag:s12] =	ssyncadd.s32 $0xFFFFC000;
	s20 =	smov.u32 s18;
	s21 =	sadd.s32 $0x10, s18  }
0x26: {  	[tilespmem:s3], [sflag:$0x2] =	stream.linear.gather [hbm4b:s19+s3], $0x80, $0x38;
	[tilespmem:$0x17D00] =	vst v63  }
0x27: {  	p0 =	sne.s32 s18, $0x4F0;
	_ =	swait.ge [sflag:s12], $0x80  }
0x28: {  	[sflag:s12] =	ssyncset.done $0x0  }
0x29: {  	s18 =	sadd.s32 s17, s9;
	s17 =	smov.u32 s20;
	[sflag:s12] =	ssyncadd.s32 $0xFFFFFF80  }
0x2a: {  	[tilespmem:s13], [sflag:$0x2] =	stream.linear.gather [hbm4b:s18+s3], $0x80, $0x38;
	[tilespmem:$0x17D00] =	vst v63  }
0x2b: {  	_ =	swait.ge [sflag:s12], $0x80  }
0x2c: {  	[sflag:s12] =	ssyncset.done $0x0  }
0x2d: {  	[sflag:s12] =	ssyncadd.s32 $0xFFFFFF80  }
0x2e: {  	[tilespmem:s14], [sflag:$0x1] =	stream.indirect.gather [hbm4b:s4+s13], $0x80, s3, s13, $0xb8;
	[tilespmem:$0x17D00] =	vst v63  }
0x2f: {  	_ =	swait.ge [sflag:s15], $0x4000  }
.Ltmp0:
0x30: {  	[sflag:s15] =	ssyncset.done $0x0;
	(pc) =	sbr.rel @p0 .LBB2_2-.Ltmp0, $4  }
0x31: {  	[sflag:s15] =	ssyncadd.s32 $0xFFFFC000  }
0x32: {  	[spmem:s2] =	stream.indirect.scatter.add.f32 [tilespmem:s14], [sflag:$0x2], $0x80, s13, s13, $0xb8;
	[tilespmem:$0x17D00] =	vst v63  }
0x33: {  	_ =	swait.ge [sflag:s12], $0x4000  }
0x34: {  	s18 =	smov.u32 s21;
	[sflag:s12] =	ssyncset.done $0x0  }
0x35: {  	s18 =	sadd.s32 s17, s10;
	[sflag:s12] =	ssyncadd.s32 $0xFFFFC000  }
0x36: {  	[tilespmem:s3], [sflag:$0x2] =	stream.linear.gather [hbm4b:s18+s3], $0x80, $0x38;
	[tilespmem:$0x17D00] =	vst v63  }
0x37: {  	_ =	swait.ge [sflag:s12], $0x80  }
0x38: {  	[sflag:s12] =	ssyncset.done $0x0  }
0x39: {  	s31 =	sadd.s32 s17, s9;
	[sflag:s12] =	ssyncadd.s32 $0xFFFFFF80  }
0x3a: {  	[tilespmem:s13], [sflag:$0x2] =	stream.linear.gather [hbm4b:s31+s3], $0x80, $0x38;
	[tilespmem:$0x17D00] =	vst v63  }
0x3b: {  	_ =	swait.ge [sflag:s12], $0x80  }
0x3c: {  	[sflag:s12] =	ssyncset.done $0x0  }
0x3d: {  	[sflag:s12] =	ssyncadd.s32 $0xFFFFFF80  }
0x3e: {  	[tilespmem:s14], [sflag:$0x1] =	stream.indirect.gather [hbm4b:s4+s13], $0x80, s3, s13, $0xb8;
	[tilespmem:$0x17D00] =	vst v63  }
0x3f: {  	_ =	swait.ge [sflag:s15], $0x4000  }
0x40: {  	[sflag:s15] =	ssyncset.done $0x0  }
0x41: {  	[sflag:s15] =	ssyncadd.s32 $0xFFFFC000  }
0x42: {  	[spmem:s2] =	stream.indirect.scatter.add.f32 [tilespmem:s14], [sflag:$0x2], $0x80, s13, s13, $0xb8;
	[tilespmem:$0x17D00] =	vst v63  }
0x43: {  	_ =	swait.ge [sflag:s12], $0x4000  }
0x44: {  	s16 =	sadd.s32 $0x1, s16;
	[sflag:s12] =	ssyncset.done $0x0  }
0x45: {  	p0 =	sne.s32 s16, s8;
	[sflag:s12] =	ssyncadd.s32 $0xFFFFC000  }
.Ltmp1:
0x46: {  	[bflag:$0x0] =	sbarrier.arrive $0xFFFF;
	(pc) =	sbr.rel @p0 .LBB2_1-.Ltmp1, $4  }
0x47: {  	[hbm:s7], [sflag:s6] =	dma.local [spmem:s11], $0x2780  }
0x48: {  	_ =	swait.ge [sflag:s12], $0x2780  }
0x49: {  	[sflag:s12] =	ssyncset.done $0x0  }
0x4a: {  	[sflag:s12] =	ssyncadd.s32 $0xFFFFD880  }
0x4b: {  	_ =	sfence.sel $0x180000  }
0x4c: {  	[bflag:$0x0] =	sbarrier.arrive $0xFFFF  }
0x4d: {  	p0 =	sne.s32 s1, $0x0;
	_ =	strace $0x90000047  }
0x4e: {  	s0 =	sadd.s32 @!p0 $0x100000, s0;
	[bflag:$0x2] =	sbarrier.arrive $0xFFFF  }
0x4f: {  	[sflag:s0] =	ssyncadd.tile.s32 @!p0 $0x1;
	_ =	shalt  }
.Lfunc_end2:
_tile_overlayer_lowered:
.L_overlay_start_2:
0x50: {  	(tag) =	ssettag $0x2  }
0x51: {  	s0 =	rddreg [dreg:$0x0];
	s2 =	stileid.u32  }
0x52: {  	s1 =	rddreg [dreg:$0x1];
	p0 =	sne.s32 s2, $0x0  }
0x53: {  	s3 =	rddreg [dreg:$0x2];
	[bflag:$0x3] =	sbarrier.arrive $0xFFFF;
	s2 =	simm.s32 @!p0 $0x1C02  }
0x54: {  	[timem:s3], [sflag:s2] =	dma.local @!p0 [hbm:s0], s1  }
0x55: {  	s0 =	simm.s32 @!p0 $0x2  }
0x56: {  	_ =	swait.ge @!p0 [sflag:s0], s1  }
0x57: {  	s1 =	ssub.s32 @!p0 $0x0, s1;
	[sflag:s0] =	ssyncset.done @!p0 $0x0  }
0x58: {  	[sflag:s0] =	ssyncadd.s32 @!p0 s1  }
0x59: {  	[bflag:$0x3] =	sbarrier.arrive $0xFFFF  }
0x5a: {  	_ =	shalt  }

</sc_bundles>
